<compile_context>
chip_gen: v7x
topology: tpu7x:2x2x1
jax: 0.10.2.dev20260603
libtpu: 0.0.44.dev20260713+nightly
codegen_flags: <defaults>
</compile_context>

<pallas_src>
import functools

import jax
import jax.numpy as jnp
from jax import lax
from jax.experimental import pallas as pl
from jax.experimental.pallas import tpu as pltpu
from jax.experimental.pallas import tpu_sc as plsc

U = 100000
I = 100000
E = 64
B = 16384

CHUNK = 128
NUM_CHUNKS = B // CHUNK
TBLK = 4096
SBLK = 2048

_TLHS = (((0,), (0,)), ((), ()))
_TLHS_RT = (((0,), (1,)), ((), ()))


def _user_body(wut, c0t, c1t, c2t, wit, w_dnn_t, b_dnn, w_di, b_di,
               wd0, bd0, wd1, bd1, wd2, bd2, u4_ref, ipk_ref):
  f32 = jnp.float32
  ucat_t = jnp.concatenate(
      [wut[...], c0t[...], c1t[...], c2t[...]], axis=0)
  server = jax.nn.relu(
      lax.dot_general(ucat_t, w_dnn_t[...], _TLHS_RT,
                      preferred_element_type=f32) + b_dnn[...])
  d0 = jax.nn.relu(
      lax.dot_general(c0t[...], wd0[...], _TLHS,
                      preferred_element_type=f32) + bd0[...])
  d1 = jax.nn.relu(
      lax.dot_general(c1t[...], wd1[...], _TLHS,
                      preferred_element_type=f32) + bd1[...])
  d2 = jax.nn.relu(
      lax.dot_general(c2t[...], wd2[...], _TLHS,
                      preferred_element_type=f32) + bd2[...])

  def pack(a, b):
    a32 = lax.bitcast_convert_type(
        a.astype(jnp.bfloat16), jnp.uint16).astype(jnp.uint32)
    b32 = lax.bitcast_convert_type(
        b.astype(jnp.bfloat16), jnp.uint16).astype(jnp.uint32)
    return a32 | (b32 << 16)

  u4_ref[:, 0:E] = pack(server, d0)
  u4_ref[:, E:2 * E] = pack(d1, d2)
  e = jax.nn.relu(
      lax.dot_general(wit[...], w_di[...], _TLHS,
                      preferred_element_type=f32) + b_di[...])
  ipk_ref[:, 0:E] = e
  ipk_ref[:, E:2 * E] = e


def _transform(w_user, w_item, c0, c1, c2, w_dnn, b_dnn, w_di, b_di,
               wd0, bd0, wd1, bd1, wd2, bd2):
  grid = (pl.cdiv(U, TBLK),)
  t_spec = pl.BlockSpec((E, TBLK), lambda i: (0, i))
  full = lambda shape: pl.BlockSpec(shape, lambda i: (0,) * len(shape))
  return pl.pallas_call(
      _user_body,
      grid=grid,
      in_specs=[t_spec] * 5 + [
          full((E, 4 * E)), full((1, E)),
          full((E, E)), full((1, E)),
          full((E, E)), full((1, E)),
          full((E, E)), full((1, E)),
          full((E, E)), full((1, E)),
      ],
      out_specs=[
          pl.BlockSpec((TBLK, 2 * E), lambda i: (i, 0)),
          pl.BlockSpec((TBLK, 2 * E), lambda i: (i, 0)),
      ],
      out_shape=[
          jax.ShapeDtypeStruct((U, 2 * E), jnp.uint32),
          jax.ShapeDtypeStruct((I, 2 * E), jnp.float32),
      ],
      compiler_params=pltpu.CompilerParams(
          fuse_transposed_lhs_in_matmul=True),
  )(w_user.T, c0.T, c1.T, c2.T, w_item.T, w_dnn.T, b_dnn.reshape(1, E),
    w_di, b_di.reshape(1, E), wd0, bd0.reshape(1, E),
    wd1, bd1.reshape(1, E), wd2, bd2.reshape(1, E))


def _gather_body(nchunks_per_worker, num_cores,
                 users_hbm, pos_hbm, neg_hbm, u4, ipk,
                 out_u, out_p, out_n,
                 idx_v, ub0, ub1, ib0, ib1, gsem, ssem):
  wid = lax.axis_index("s") * num_cores + lax.axis_index("c")
  row0 = wid * nchunks_per_worker
  n = nchunks_per_worker
  pltpu.sync_copy(users_hbm.at[pl.ds(row0, n)], idx_v.at[pl.ds(0, n)])
  pltpu.sync_copy(pos_hbm.at[pl.ds(row0, n)], idx_v.at[pl.ds(n, n)])
  pltpu.sync_copy(neg_hbm.at[pl.ds(row0, n)], idx_v.at[pl.ds(2 * n, n)])
  work = []
  for j in range(n):
    base = (row0 + j) * CHUNK
    work.append((u4, j, out_u, base, (ub0, ub1)[j % 2]))
    work.append((ipk, n + j, out_p, base, ib0))
    work.append((ipk, 2 * n + j, out_n, base, ib1))
  pending = {}
  for table, irow, out, base, buf in work:
    if id(buf) in pending:
      pending.pop(id(buf)).wait()
    pltpu.async_copy(table.at[idx_v.at[irow]], buf, gsem).wait()
    pending[id(buf)] = pltpu.async_copy(
        buf, out.at[pl.ds(base, CHUNK)], ssem)
  for h in pending.values():
    h.wait()


def _sc_gather(users, pos_items, neg_items, u4, ipk):
  info = plsc.get_sparse_core_info()
  num_cores, num_subcores = info.num_cores, info.num_subcores
  npw = NUM_CHUNKS // (num_cores * num_subcores)
  mesh = plsc.VectorSubcoreMesh(core_axis_name="c", subcore_axis_name="s")
  out_t = [
      jax.ShapeDtypeStruct((B, 2 * E), jnp.uint32),
      jax.ShapeDtypeStruct((B, 2 * E), jnp.float32),
      jax.ShapeDtypeStruct((B, 2 * E), jnp.float32),
  ]
  scratch = [
      pltpu.VMEM((3 * npw, CHUNK), jnp.int32),
      pltpu.VMEM((CHUNK, 2 * E), jnp.uint32),
      pltpu.VMEM((CHUNK, 2 * E), jnp.uint32),
      pltpu.VMEM((CHUNK, 2 * E), jnp.float32),
      pltpu.VMEM((CHUNK, 2 * E), jnp.float32),
      pltpu.SemaphoreType.DMA,
      pltpu.SemaphoreType.DMA,
  ]
  users2 = users.astype(jnp.int32).reshape(NUM_CHUNKS, CHUNK)
  pos2 = pos_items.astype(jnp.int32).reshape(NUM_CHUNKS, CHUNK)
  neg2 = neg_items.astype(jnp.int32).reshape(NUM_CHUNKS, CHUNK)
  body = functools.partial(_gather_body, npw, num_cores)
  return pl.kernel(body, out_type=out_t, mesh=mesh, scratch_types=scratch)(
      users2, pos2, neg2, u4, ipk)


def _score_body(gu, gp, gn, ps_ref, ns_ref, pl_ref, nl_ref):
  f32 = jnp.float32
  g = gu[...]
  unlo = lambda w: lax.bitcast_convert_type(w << 16, f32)
  unhi = lambda w: lax.bitcast_convert_type(w & jnp.uint32(0xFFFF0000), f32)
  server = unlo(g[:, 0:E])
  d0 = unhi(g[:, 0:E])
  d1 = unlo(g[:, E:2 * E])
  d2 = unhi(g[:, E:2 * E])
  eu4 = jnp.concatenate([server, d0, d1, d2], axis=1)
  ep = gp[:, 0:E]
  en = gn[:, 0:E]
  ep4 = jnp.concatenate([ep, ep, ep, ep], axis=1)
  en4 = jnp.concatenate([en, en, en, en], axis=1)
  ci = lax.broadcasted_iota(jnp.int32, (4 * E, 4), 0) // E
  ki = lax.broadcasted_iota(jnp.int32, (4 * E, 4), 1)
  m2 = (ci <= ki).astype(f32)
  pcum = lax.dot_general(m2, eu4 * ep4, (((0,), (1,)), ((), ())),
                         preferred_element_type=f32)
  ncum = lax.dot_general(m2, eu4 * en4, (((0,), (1,)), ((), ())),
                         preferred_element_type=f32)
  ps_ref[...] = pcum[3]
  ns_ref[...] = ncum[3]
  pl_ref[...] = pcum
  nl_ref[...] = ncum


def _score(gu, gp, gn):
  grid = (B // SBLK,)
  return pl.pallas_call(
      _score_body,
      grid=grid,
      in_specs=[
          pl.BlockSpec((SBLK, 2 * E), lambda i: (i, 0)),
          pl.BlockSpec((SBLK, 2 * E), lambda i: (i, 0)),
          pl.BlockSpec((SBLK, 2 * E), lambda i: (i, 0)),
      ],
      out_specs=[
          pl.BlockSpec((SBLK,), lambda i: (i,)),
          pl.BlockSpec((SBLK,), lambda i: (i,)),
          pl.BlockSpec((4, SBLK), lambda i: (0, i)),
          pl.BlockSpec((4, SBLK), lambda i: (0, i)),
      ],
      out_shape=[
          jax.ShapeDtypeStruct((B,), jnp.float32),
          jax.ShapeDtypeStruct((B,), jnp.float32),
          jax.ShapeDtypeStruct((4, B), jnp.float32),
          jax.ShapeDtypeStruct((4, B), jnp.float32),
      ],
  )(gu, gp, gn)


def kernel(users, pos_items, neg_items, W_user, W_item, C0, C1, C2,
           W_dnn, b_dnn, W_di, b_di, Wd0, bd0, Wd1, bd1, Wd2, bd2):
  u4, ipk = _transform(W_user, W_item, C0, C1, C2, W_dnn, b_dnn,
                       W_di, b_di, Wd0, bd0, Wd1, bd1, Wd2, bd2)
  gu, gp, gn = _sc_gather(users, pos_items, neg_items, u4, ipk)
  return _score(gu, gp, gn)

# --- scband reference (transcript-rebuilt; emitter-appended) ---
"""Pipeline reference for scband-fea-14525579395733 (READ-ONLY COPY).

The authoritative reference and input builder live on the scoring server;
editing this copy changes nothing except your own understanding.
"""

import jax, jax.numpy as jnp
import numpy as np

U = 100000
I = 100000
E = 64
B = 16384
NC = 3  # number of clients; client_count = NC + 1


def setup_inputs(seed: int = 0) -> dict:
    key = jax.random.key(seed)
    ks = jax.random.split(key, 20)
    inp = {}
    inp["users"] = jax.random.randint(ks[0], (B,), 0, U, dtype=jnp.int64) if jax.config.jax_enable_x64 else jax.random.randint(ks[0], (B,), 0, U, dtype=jnp.int32)
    inp["pos_items"] = jax.random.randint(ks[1], (B,), 0, I, dtype=inp["users"].dtype)
    inp["neg_items"] = jax.random.randint(ks[2], (B,), 0, I, dtype=inp["users"].dtype)
    # server embedding tables
    inp["W_user"] = jax.random.normal(ks[3], (U, E), dtype=jnp.float32) * 0.05
    inp["W_item"] = jax.random.normal(ks[4], (I, E), dtype=jnp.float32) * 0.05
    # client user embedding tables
    inp["C0"] = jax.random.normal(ks[5], (U, E), dtype=jnp.float32) * 0.05
    inp["C1"] = jax.random.normal(ks[6], (U, E), dtype=jnp.float32) * 0.05
    inp["C2"] = jax.random.normal(ks[7], (U, E), dtype=jnp.float32) * 0.05
    # DNN over concatenated user embeddings: [E*(NC+1)] -> [E]
    fan_in = E * (NC + 1)
    inp["W_dnn"] = jax.random.normal(ks[8], (fan_in, E), dtype=jnp.float32) / np.sqrt(fan_in)
    inp["b_dnn"] = jnp.zeros((E,), dtype=jnp.float32)
    # DNN_item: [E] -> [E]
    inp["W_di"] = jax.random.normal(ks[9], (E, E), dtype=jnp.float32) / np.sqrt(E)
    inp["b_di"] = jnp.zeros((E,), dtype=jnp.float32)
    # client decoders (WideAndDeep_client approximated as Linear+ReLU)
    inp["Wd0"] = jax.random.normal(ks[10], (E, E), dtype=jnp.float32) / np.sqrt(E)
    inp["bd0"] = jnp.zeros((E,), dtype=jnp.float32)
    inp["Wd1"] = jax.random.normal(ks[11], (E, E), dtype=jnp.float32) / np.sqrt(E)
    inp["bd1"] = jnp.zeros((E,), dtype=jnp.float32)
    inp["Wd2"] = jax.random.normal(ks[12], (E, E), dtype=jnp.float32) / np.sqrt(E)
    inp["bd2"] = jnp.zeros((E,), dtype=jnp.float32)
    return inp


def reference(users, pos_items, neg_items, W_user, W_item, C0, C1, C2,
              W_dnn, b_dnn, W_di, b_di, Wd0, bd0, Wd1, bd1, Wd2, bd2):
    clients = [C0, C1, C2]
    decs = [(Wd0, bd0), (Wd1, bd1), (Wd2, bd2)]
    # computer_DNN: concat all user tables, pass through MLP; item table through DNN_item
    emb_user_cat = jnp.concatenate([W_user] + clients, axis=-1)  # [U, E*(NC+1)]
    server_user = jax.nn.relu(emb_user_cat @ W_dnn + b_dnn)      # [U, E]
    emb_item = jax.nn.relu(W_item @ W_di + b_di)                 # [I, E]
    # computer_decoder for each client table
    emb_user_list = [server_user]
    for c, (W, b) in zip(clients, decs):
        emb_user_list.append(jax.nn.relu(c @ W + b))
    # forward: cumulative dot-product scores (SparseCore-style gathers)
    pos_score = jnp.zeros((users.shape[0],), dtype=jnp.float32)
    neg_score = jnp.zeros((users.shape[0],), dtype=jnp.float32)
    pos_list, neg_list = [], []
    for eu in emb_user_list:
        ue = jnp.take(eu, users, axis=0)
        pos_score = pos_score + (ue * jnp.take(emb_item, pos_items, axis=0)).sum(axis=-1)
        neg_score = neg_score + (ue * jnp.take(emb_item, neg_items, axis=0)).sum(axis=-1)
        pos_list.append(pos_score)
        neg_list.append(neg_score)
    return (pos_score, neg_score, jnp.stack(pos_list), jnp.stack(neg_list))

if __name__ == "__main__":
    import jax
    _d = setup_inputs()
    print(jax.jit(kernel)(*tuple(_d.values())))

</pallas_src>

<mosaic_0001>
#map = affine_map<(d0, d1) -> (0, 0)>
module attributes {stable_mosaic.version = 14 : i64} {
  func.func @_gather_body(%arg0: i32, %arg1: i32, %arg2: memref<128x128xi32, #tpu.memory_space<hbm>>, %arg3: memref<128x128xi32, #tpu.memory_space<hbm>>, %arg4: memref<128x128xi32, #tpu.memory_space<hbm>>, %arg5: memref<100000x128xi32, #tpu.memory_space<hbm>>, %arg6: memref<100000x128xf32, #tpu.memory_space<hbm>>, %arg7: memref<16384x128xi32, #tpu.memory_space<hbm>>, %arg8: memref<16384x128xf32, #tpu.memory_space<hbm>>, %arg9: memref<16384x128xf32, #tpu.memory_space<hbm>>, %arg10: memref<12x128xi32, #tpu.memory_space<vmem>>, %arg11: memref<128x128xi32, #tpu.memory_space<vmem>>, %arg12: memref<128x128xi32, #tpu.memory_space<vmem>>, %arg13: memref<128x128xf32, #tpu.memory_space<vmem>>, %arg14: memref<128x128xf32, #tpu.memory_space<vmem>>, %arg15: memref<!tpu.dma_semaphore, #tpu.memory_space<semaphore_mem>>, %arg16: memref<!tpu.dma_semaphore, #tpu.memory_space<semaphore_mem>>) attributes {dimension_semantics = [#tpu.dimension_semantics<core_parallel>, #tpu.dimension_semantics<subcore_parallel>], iteration_bounds = array<i64: 2, 16>, scalar_prefetch = 0 : i64, scratch_operands = 7 : i64, tpu.core_type = #tpu.core_type<sc_vector_subcore>, window_params = [{transform_indices = #map}, {transform_indices = #map}, {transform_indices = #map}, {transform_indices = #map}, {transform_indices = #map}, {transform_indices = #map}, {transform_indices = #map}, {transform_indices = #map}]} {
    %mul3A = arith.constant 2 : i32
    %mul3A_0 = arith.muli %arg1, %mul3A : i32
    %add3A = arith.addi %mul3A_0, %arg0 : i32
    %mul3A_1 = arith.constant 4 : i32
    %mul3A_2 = arith.muli %add3A, %mul3A_1 : i32
    "tpu.region"() ({
      %run_scoped3A = tpu.sem_alloc : memref<!tpu.dma_semaphore, #tpu.memory_space<semaphore_mem>>
      %dma_start3A_281 = arith.constant 0 : i32
      %dma_start3A_282 = arith.constant 0 : i32
      %dma_start3A_283 = tpu.memref_slice %arg10[%dma_start3A_281, %dma_start3A_282] : memref<12x128xi32, #tpu.memory_space<vmem>> -> memref<4x128xi32, #tpu.memory_space<vmem>>
      %dma_start3A_284 = arith.constant 0 : i32
      %dma_start3A_285 = tpu.memref_slice %arg2[%mul3A_2, %dma_start3A_284] : memref<128x128xi32, #tpu.memory_space<hbm>> -> memref<4x128xi32, #tpu.memory_space<hbm>>
      %dma_start3A_286 = arith.constant 0 : i32
      %dma_start3A_287 = arith.constant 0 : i32
      %dma_start3A_288 = tpu.memref_slice %arg10[%dma_start3A_286, %dma_start3A_287] : memref<12x128xi32, #tpu.memory_space<vmem>> -> memref<4x128xi32, #tpu.memory_space<vmem>>
      %dma_start3A_289 = arith.constant 0 : i32
      %dma_start3A_290 = tpu.memref_slice %arg2[%mul3A_2, %dma_start3A_289] : memref<128x128xi32, #tpu.memory_space<hbm>> -> memref<4x128xi32, #tpu.memory_space<hbm>>
      tpu.enqueue_dma source(%dma_start3A_290 : memref<4x128xi32, #tpu.memory_space<hbm>>) target(%dma_start3A_288 : memref<4x128xi32, #tpu.memory_space<vmem>>) target_semaphore(%run_scoped3A : memref<!tpu.dma_semaphore, #tpu.memory_space<semaphore_mem>>)
      %dma_wait3A_291 = arith.constant 0 : i32
      %dma_wait3A_292 = arith.constant 0 : i32
      %dma_wait3A_293 = tpu.memref_slice %arg10[%dma_wait3A_291, %dma_wait3A_292] : memref<12x128xi32, #tpu.memory_space<vmem>> -> memref<4x128xi32, #tpu.memory_space<vmem>>
      %dma_wait3A_294 = arith.constant 0 : i32
      %dma_wait3A_295 = tpu.memref_slice %arg2[%mul3A_2, %dma_wait3A_294] : memref<128x128xi32, #tpu.memory_space<hbm>> -> memref<4x128xi32, #tpu.memory_space<hbm>>
      %dma_wait3A_296 = arith.constant 0 : i32
      %dma_wait3A_297 = arith.constant 0 : i32
      %dma_wait3A_298 = tpu.memref_slice %arg10[%dma_wait3A_296, %dma_wait3A_297] : memref<12x128xi32, #tpu.memory_space<vmem>> -> memref<4x128xi32, #tpu.memory_space<vmem>>
      %dma_wait3A_299 = arith.constant 0 : i32
      %dma_wait3A_300 = tpu.memref_slice %arg2[%mul3A_2, %dma_wait3A_299] : memref<128x128xi32, #tpu.memory_space<hbm>> -> memref<4x128xi32, #tpu.memory_space<hbm>>
      tpu.wait_dma2 semaphore(%run_scoped3A : memref<!tpu.dma_semaphore, #tpu.memory_space<semaphore_mem>>) src(%dma_wait3A_300 : memref<4x128xi32, #tpu.memory_space<hbm>>) dst(%dma_wait3A_298 : memref<4x128xi32, #tpu.memory_space<vmem>>)
      tpu.yield
    }) : () -> ()
    "tpu.region"() ({
      %run_scoped3A = tpu.sem_alloc : memref<!tpu.dma_semaphore, #tpu.memory_space<semaphore_mem>>
      %dma_start3A_281 = arith.constant 4 : i32
      %dma_start3A_282 = arith.constant 0 : i32
      %dma_start3A_283 = tpu.memref_slice %arg10[%dma_start3A_281, %dma_start3A_282] : memref<12x128xi32, #tpu.memory_space<vmem>> -> memref<4x128xi32, #tpu.memory_space<vmem>>
      %dma_start3A_284 = arith.constant 0 : i32
      %dma_start3A_285 = tpu.memref_slice %arg3[%mul3A_2, %dma_start3A_284] : memref<128x128xi32, #tpu.memory_space<hbm>> -> memref<4x128xi32, #tpu.memory_space<hbm>>
      %dma_start3A_286 = arith.constant 4 : i32
      %dma_start3A_287 = arith.constant 0 : i32
      %dma_start3A_288 = tpu.memref_slice %arg10[%dma_start3A_286, %dma_start3A_287] : memref<12x128xi32, #tpu.memory_space<vmem>> -> memref<4x128xi32, #tpu.memory_space<vmem>>
      %dma_start3A_289 = arith.constant 0 : i32
      %dma_start3A_290 = tpu.memref_slice %arg3[%mul3A_2, %dma_start3A_289] : memref<128x128xi32, #tpu.memory_space<hbm>> -> memref<4x128xi32, #tpu.memory_space<hbm>>
      tpu.enqueue_dma source(%dma_start3A_290 : memref<4x128xi32, #tpu.memory_space<hbm>>) target(%dma_start3A_288 : memref<4x128xi32, #tpu.memory_space<vmem>>) target_semaphore(%run_scoped3A : memref<!tpu.dma_semaphore, #tpu.memory_space<semaphore_mem>>)
      %dma_wait3A_291 = arith.constant 4 : i32
      %dma_wait3A_292 = arith.constant 0 : i32
      %dma_wait3A_293 = tpu.memref_slice %arg10[%dma_wait3A_291, %dma_wait3A_292] : memref<12x128xi32, #tpu.memory_space<vmem>> -> memref<4x128xi32, #tpu.memory_space<vmem>>
      %dma_wait3A_294 = arith.constant 0 : i32
      %dma_wait3A_295 = tpu.memref_slice %arg3[%mul3A_2, %dma_wait3A_294] : memref<128x128xi32, #tpu.memory_space<hbm>> -> memref<4x128xi32, #tpu.memory_space<hbm>>
      %dma_wait3A_296 = arith.constant 4 : i32
      %dma_wait3A_297 = arith.constant 0 : i32
      %dma_wait3A_298 = tpu.memref_slice %arg10[%dma_wait3A_296, %dma_wait3A_297] : memref<12x128xi32, #tpu.memory_space<vmem>> -> memref<4x128xi32, #tpu.memory_space<vmem>>
      %dma_wait3A_299 = arith.constant 0 : i32
      %dma_wait3A_300 = tpu.memref_slice %arg3[%mul3A_2, %dma_wait3A_299] : memref<128x128xi32, #tpu.memory_space<hbm>> -> memref<4x128xi32, #tpu.memory_space<hbm>>
      tpu.wait_dma2 semaphore(%run_scoped3A : memref<!tpu.dma_semaphore, #tpu.memory_space<semaphore_mem>>) src(%dma_wait3A_300 : memref<4x128xi32, #tpu.memory_space<hbm>>) dst(%dma_wait3A_298 : memref<4x128xi32, #tpu.memory_space<vmem>>)
      tpu.yield
    }) : () -> ()
    "tpu.region"() ({
      %run_scoped3A = tpu.sem_alloc : memref<!tpu.dma_semaphore, #tpu.memory_space<semaphore_mem>>
      %dma_start3A_281 = arith.constant 8 : i32
      %dma_start3A_282 = arith.constant 0 : i32
      %dma_start3A_283 = tpu.memref_slice %arg10[%dma_start3A_281, %dma_start3A_282] : memref<12x128xi32, #tpu.memory_space<vmem>> -> memref<4x128xi32, #tpu.memory_space<vmem>>
      %dma_start3A_284 = arith.constant 0 : i32
      %dma_start3A_285 = tpu.memref_slice %arg4[%mul3A_2, %dma_start3A_284] : memref<128x128xi32, #tpu.memory_space<hbm>> -> memref<4x128xi32, #tpu.memory_space<hbm>>
      %dma_start3A_286 = arith.constant 8 : i32
      %dma_start3A_287 = arith.constant 0 : i32
      %dma_start3A_288 = tpu.memref_slice %arg10[%dma_start3A_286, %dma_start3A_287] : memref<12x128xi32, #tpu.memory_space<vmem>> -> memref<4x128xi32, #tpu.memory_space<vmem>>
      %dma_start3A_289 = arith.constant 0 : i32
      %dma_start3A_290 = tpu.memref_slice %arg4[%mul3A_2, %dma_start3A_289] : memref<128x128xi32, #tpu.memory_space<hbm>> -> memref<4x128xi32, #tpu.memory_space<hbm>>
      tpu.enqueue_dma source(%dma_start3A_290 : memref<4x128xi32, #tpu.memory_space<hbm>>) target(%dma_start3A_288 : memref<4x128xi32, #tpu.memory_space<vmem>>) target_semaphore(%run_scoped3A : memref<!tpu.dma_semaphore, #tpu.memory_space<semaphore_mem>>)
      %dma_wait3A_291 = arith.constant 8 : i32
      %dma_wait3A_292 = arith.constant 0 : i32
      %dma_wait3A_293 = tpu.memref_slice %arg10[%dma_wait3A_291, %dma_wait3A_292] : memref<12x128xi32, #tpu.memory_space<vmem>> -> memref<4x128xi32, #tpu.memory_space<vmem>>
      %dma_wait3A_294 = arith.constant 0 : i32
      %dma_wait3A_295 = tpu.memref_slice %arg4[%mul3A_2, %dma_wait3A_294] : memref<128x128xi32, #tpu.memory_space<hbm>> -> memref<4x128xi32, #tpu.memory_space<hbm>>
      %dma_wait3A_296 = arith.constant 8 : i32
      %dma_wait3A_297 = arith.constant 0 : i32
      %dma_wait3A_298 = tpu.memref_slice %arg10[%dma_wait3A_296, %dma_wait3A_297] : memref<12x128xi32, #tpu.memory_space<vmem>> -> memref<4x128xi32, #tpu.memory_space<vmem>>
      %dma_wait3A_299 = arith.constant 0 : i32
      %dma_wait3A_300 = tpu.memref_slice %arg4[%mul3A_2, %dma_wait3A_299] : memref<128x128xi32, #tpu.memory_space<hbm>> -> memref<4x128xi32, #tpu.memory_space<hbm>>
      tpu.wait_dma2 semaphore(%run_scoped3A : memref<!tpu.dma_semaphore, #tpu.memory_space<semaphore_mem>>) src(%dma_wait3A_300 : memref<4x128xi32, #tpu.memory_space<hbm>>) dst(%dma_wait3A_298 : memref<4x128xi32, #tpu.memory_space<vmem>>)
      tpu.yield
    }) : () -> ()
    %add3A_3 = arith.constant 0 : i32
    %add3A_4 = arith.addi %mul3A_2, %add3A_3 : i32
    %mul3A_5 = arith.constant 128 : i32
    %mul3A_6 = arith.muli %add3A_4, %mul3A_5 : i32
    %add3A_7 = arith.constant 1 : i32
    %add3A_8 = arith.addi %mul3A_2, %add3A_7 : i32
    %mul3A_9 = arith.constant 128 : i32
    %mul3A_10 = arith.muli %add3A_8, %mul3A_9 : i32
    %add3A_11 = arith.constant 2 : i32
    %add3A_12 = arith.addi %mul3A_2, %add3A_11 : i32
    %mul3A_13 = arith.constant 128 : i32
    %mul3A_14 = arith.muli %add3A_12, %mul3A_13 : i32
    %add3A_15 = arith.constant 3 : i32
    %add3A_16 = arith.addi %mul3A_2, %add3A_15 : i32
    %mul3A_17 = arith.constant 128 : i32
    %mul3A_18 = arith.muli %add3A_16, %mul3A_17 : i32
    %dma_start3A = arith.constant 0 : i32
    %dma_start3A_19 = arith.constant 0 : i32
    %dma_start3A_20 = tpu.memref_slice %arg10[%dma_start3A, %dma_start3A_19] : memref<12x128xi32, #tpu.memory_space<vmem>> -> memref<1x128xi32, #tpu.memory_space<vmem>>
    %dma_start3A_21 = tpu.memref_squeeze %dma_start3A_20 : memref<1x128xi32, #tpu.memory_space<vmem>> -> memref<128xi32, #tpu.memory_space<vmem>>
    %dma_start3A_22 = arith.constant 0 : i32
    %dma_start3A_23 = arith.constant 0 : i32
    %dma_start3A_24 = tpu.memref_slice %arg5[%dma_start3A_22, %dma_start3A_23] : memref<100000x128xi32, #tpu.memory_space<hbm>> -> memref<100000x128xi32, #tpu.memory_space<hbm>>
    tpu.enqueue_indirect_dma source(%dma_start3A_24 : memref<100000x128xi32, #tpu.memory_space<hbm>>) target(%arg11 : memref<128x128xi32, #tpu.memory_space<vmem>>) offsets(%dma_start3A_21 : memref<128xi32, #tpu.memory_space<vmem>>) semaphore(%arg15 : memref<!tpu.dma_semaphore, #tpu.memory_space<semaphore_mem>>)
    %dma_wait3A = arith.constant 0 : i32
    %dma_wait3A_25 = arith.constant 0 : i32
    %dma_wait3A_26 = tpu.memref_slice %arg10[%dma_wait3A, %dma_wait3A_25] : memref<12x128xi32, #tpu.memory_space<vmem>> -> memref<1x128xi32, #tpu.memory_space<vmem>>
    %dma_wait3A_27 = tpu.memref_squeeze %dma_wait3A_26 : memref<1x128xi32, #tpu.memory_space<vmem>> -> memref<128xi32, #tpu.memory_space<vmem>>
    %dma_wait3A_28 = arith.constant 0 : i32
    %dma_wait3A_29 = arith.constant 0 : i32
    %dma_wait3A_30 = tpu.memref_slice %arg5[%dma_wait3A_28, %dma_wait3A_29] : memref<100000x128xi32, #tpu.memory_space<hbm>> -> memref<100000x128xi32, #tpu.memory_space<hbm>>
    tpu.wait_indirect_dma semaphore(%arg15 : memref<!tpu.dma_semaphore, #tpu.memory_space<semaphore_mem>>) src(%dma_wait3A_30 : memref<100000x128xi32, #tpu.memory_space<hbm>>) dst(%arg11 : memref<128x128xi32, #tpu.memory_space<vmem>>)
    %dma_start3A_31 = arith.constant 0 : i32
    %dma_start3A_32 = tpu.memref_slice %arg7[%mul3A_6, %dma_start3A_31] : memref<16384x128xi32, #tpu.memory_space<hbm>> -> memref<128x128xi32, #tpu.memory_space<hbm>>
    %dma_start3A_33 = arith.constant 0 : i32
    %dma_start3A_34 = tpu.memref_slice %arg7[%mul3A_6, %dma_start3A_33] : memref<16384x128xi32, #tpu.memory_space<hbm>> -> memref<128x128xi32, #tpu.memory_space<hbm>>
    tpu.enqueue_dma source(%arg11 : memref<128x128xi32, #tpu.memory_space<vmem>>) target(%dma_start3A_34 : memref<128x128xi32, #tpu.memory_space<hbm>>) target_semaphore(%arg16 : memref<!tpu.dma_semaphore, #tpu.memory_space<semaphore_mem>>)
    %dma_start3A_35 = arith.constant 4 : i32
    %dma_start3A_36 = arith.constant 0 : i32
    %dma_start3A_37 = tpu.memref_slice %arg10[%dma_start3A_35, %dma_start3A_36] : memref<12x128xi32, #tpu.memory_space<vmem>> -> memref<1x128xi32, #tpu.memory_space<vmem>>
    %dma_start3A_38 = tpu.memref_squeeze %dma_start3A_37 : memref<1x128xi32, #tpu.memory_space<vmem>> -> memref<128xi32, #tpu.memory_space<vmem>>
    %dma_start3A_39 = arith.constant 0 : i32
    %dma_start3A_40 = arith.constant 0 : i32
    %dma_start3A_41 = tpu.memref_slice %arg6[%dma_start3A_39, %dma_start3A_40] : memref<100000x128xf32, #tpu.memory_space<hbm>> -> memref<100000x128xf32, #tpu.memory_space<hbm>>
    tpu.enqueue_indirect_dma source(%dma_start3A_41 : memref<100000x128xf32, #tpu.memory_space<hbm>>) target(%arg13 : memref<128x128xf32, #tpu.memory_space<vmem>>) offsets(%dma_start3A_38 : memref<128xi32, #tpu.memory_space<vmem>>) semaphore(%arg15 : memref<!tpu.dma_semaphore, #tpu.memory_space<semaphore_mem>>)
    %dma_wait3A_42 = arith.constant 4 : i32
    %dma_wait3A_43 = arith.constant 0 : i32
    %dma_wait3A_44 = tpu.memref_slice %arg10[%dma_wait3A_42, %dma_wait3A_43] : memref<12x128xi32, #tpu.memory_space<vmem>> -> memref<1x128xi32, #tpu.memory_space<vmem>>
    %dma_wait3A_45 = tpu.memref_squeeze %dma_wait3A_44 : memref<1x128xi32, #tpu.memory_space<vmem>> -> memref<128xi32, #tpu.memory_space<vmem>>
    %dma_wait3A_46 = arith.constant 0 : i32
    %dma_wait3A_47 = arith.constant 0 : i32
    %dma_wait3A_48 = tpu.memref_slice %arg6[%dma_wait3A_46, %dma_wait3A_47] : memref<100000x128xf32, #tpu.memory_space<hbm>> -> memref<100000x128xf32, #tpu.memory_space<hbm>>
    tpu.wait_indirect_dma semaphore(%arg15 : memref<!tpu.dma_semaphore, #tpu.memory_space<semaphore_mem>>) src(%dma_wait3A_48 : memref<100000x128xf32, #tpu.memory_space<hbm>>) dst(%arg13 : memref<128x128xf32, #tpu.memory_space<vmem>>)
    %dma_start3A_49 = arith.constant 0 : i32
    %dma_start3A_50 = tpu.memref_slice %arg8[%mul3A_6, %dma_start3A_49] : memref<16384x128xf32, #tpu.memory_space<hbm>> -> memref<128x128xf32, #tpu.memory_space<hbm>>
    %dma_start3A_51 = arith.constant 0 : i32
    %dma_start3A_52 = tpu.memref_slice %arg8[%mul3A_6, %dma_start3A_51] : memref<16384x128xf32, #tpu.memory_space<hbm>> -> memref<128x128xf32, #tpu.memory_space<hbm>>
    tpu.enqueue_dma source(%arg13 : memref<128x128xf32, #tpu.memory_space<vmem>>) target(%dma_start3A_52 : memref<128x128xf32, #tpu.memory_space<hbm>>) target_semaphore(%arg16 : memref<!tpu.dma_semaphore, #tpu.memory_space<semaphore_mem>>)
    %dma_start3A_53 = arith.constant 8 : i32
    %dma_start3A_54 = arith.constant 0 : i32
    %dma_start3A_55 = tpu.memref_slice %arg10[%dma_start3A_53, %dma_start3A_54] : memref<12x128xi32, #tpu.memory_space<vmem>> -> memref<1x128xi32, #tpu.memory_space<vmem>>
    %dma_start3A_56 = tpu.memref_squeeze %dma_start3A_55 : memref<1x128xi32, #tpu.memory_space<vmem>> -> memref<128xi32, #tpu.memory_space<vmem>>
    %dma_start3A_57 = arith.constant 0 : i32
    %dma_start3A_58 = arith.constant 0 : i32
    %dma_start3A_59 = tpu.memref_slice %arg6[%dma_start3A_57, %dma_start3A_58] : memref<100000x128xf32, #tpu.memory_space<hbm>> -> memref<100000x128xf32, #tpu.memory_space<hbm>>
    tpu.enqueue_indirect_dma source(%dma_start3A_59 : memref<100000x128xf32, #tpu.memory_space<hbm>>) target(%arg14 : memref<128x128xf32, #tpu.memory_space<vmem>>) offsets(%dma_start3A_56 : memref<128xi32, #tpu.memory_space<vmem>>) semaphore(%arg15 : memref<!tpu.dma_semaphore, #tpu.memory_space<semaphore_mem>>)
    %dma_wait3A_60 = arith.constant 8 : i32
    %dma_wait3A_61 = arith.constant 0 : i32
    %dma_wait3A_62 = tpu.memref_slice %arg10[%dma_wait3A_60, %dma_wait3A_61] : memref<12x128xi32, #tpu.memory_space<vmem>> -> memref<1x128xi32, #tpu.memory_space<vmem>>
    %dma_wait3A_63 = tpu.memref_squeeze %dma_wait3A_62 : memref<1x128xi32, #tpu.memory_space<vmem>> -> memref<128xi32, #tpu.memory_space<vmem>>
    %dma_wait3A_64 = arith.constant 0 : i32
    %dma_wait3A_65 = arith.constant 0 : i32
    %dma_wait3A_66 = tpu.memref_slice %arg6[%dma_wait3A_64, %dma_wait3A_65] : memref<100000x128xf32, #tpu.memory_space<hbm>> -> memref<100000x128xf32, #tpu.memory_space<hbm>>
    tpu.wait_indirect_dma semaphore(%arg15 : memref<!tpu.dma_semaphore, #tpu.memory_space<semaphore_mem>>) src(%dma_wait3A_66 : memref<100000x128xf32, #tpu.memory_space<hbm>>) dst(%arg14 : memref<128x128xf32, #tpu.memory_space<vmem>>)
    %dma_start3A_67 = arith.constant 0 : i32
    %dma_start3A_68 = tpu.memref_slice %arg9[%mul3A_6, %dma_start3A_67] : memref<16384x128xf32, #tpu.memory_space<hbm>> -> memref<128x128xf32, #tpu.memory_space<hbm>>
    %dma_start3A_69 = arith.constant 0 : i32
    %dma_start3A_70 = tpu.memref_slice %arg9[%mul3A_6, %dma_start3A_69] : memref<16384x128xf32, #tpu.memory_space<hbm>> -> memref<128x128xf32, #tpu.memory_space<hbm>>
    tpu.enqueue_dma source(%arg14 : memref<128x128xf32, #tpu.memory_space<vmem>>) target(%dma_start3A_70 : memref<128x128xf32, #tpu.memory_space<hbm>>) target_semaphore(%arg16 : memref<!tpu.dma_semaphore, #tpu.memory_space<semaphore_mem>>)
    %dma_start3A_71 = arith.constant 1 : i32
    %dma_start3A_72 = arith.constant 0 : i32
    %dma_start3A_73 = tpu.memref_slice %arg10[%dma_start3A_71, %dma_start3A_72] : memref<12x128xi32, #tpu.memory_space<vmem>> -> memref<1x128xi32, #tpu.memory_space<vmem>>
    %dma_start3A_74 = tpu.memref_squeeze %dma_start3A_73 : memref<1x128xi32, #tpu.memory_space<vmem>> -> memref<128xi32, #tpu.memory_space<vmem>>
    %dma_start3A_75 = arith.constant 0 : i32
    %dma_start3A_76 = arith.constant 0 : i32
    %dma_start3A_77 = tpu.memref_slice %arg5[%dma_start3A_75, %dma_start3A_76] : memref<100000x128xi32, #tpu.memory_space<hbm>> -> memref<100000x128xi32, #tpu.memory_space<hbm>>
    tpu.enqueue_indirect_dma source(%dma_start3A_77 : memref<100000x128xi32, #tpu.memory_space<hbm>>) target(%arg12 : memref<128x128xi32, #tpu.memory_space<vmem>>) offsets(%dma_start3A_74 : memref<128xi32, #tpu.memory_space<vmem>>) semaphore(%arg15 : memref<!tpu.dma_semaphore, #tpu.memory_space<semaphore_mem>>)
    %dma_wait3A_78 = arith.constant 1 : i32
    %dma_wait3A_79 = arith.constant 0 : i32
    %dma_wait3A_80 = tpu.memref_slice %arg10[%dma_wait3A_78, %dma_wait3A_79] : memref<12x128xi32, #tpu.memory_space<vmem>> -> memref<1x128xi32, #tpu.memory_space<vmem>>
    %dma_wait3A_81 = tpu.memref_squeeze %dma_wait3A_80 : memref<1x128xi32, #tpu.memory_space<vmem>> -> memref<128xi32, #tpu.memory_space<vmem>>
    %dma_wait3A_82 = arith.constant 0 : i32
    %dma_wait3A_83 = arith.constant 0 : i32
    %dma_wait3A_84 = tpu.memref_slice %arg5[%dma_wait3A_82, %dma_wait3A_83] : memref<100000x128xi32, #tpu.memory_space<hbm>> -> memref<100000x128xi32, #tpu.memory_space<hbm>>
    tpu.wait_indirect_dma semaphore(%arg15 : memref<!tpu.dma_semaphore, #tpu.memory_space<semaphore_mem>>) src(%dma_wait3A_84 : memref<100000x128xi32, #tpu.memory_space<hbm>>) dst(%arg12 : memref<128x128xi32, #tpu.memory_space<vmem>>)
    %dma_start3A_85 = arith.constant 0 : i32
    %dma_start3A_86 = tpu.memref_slice %arg7[%mul3A_10, %dma_start3A_85] : memref<16384x128xi32, #tpu.memory_space<hbm>> -> memref<128x128xi32, #tpu.memory_space<hbm>>
    %dma_start3A_87 = arith.constant 0 : i32
    %dma_start3A_88 = tpu.memref_slice %arg7[%mul3A_10, %dma_start3A_87] : memref<16384x128xi32, #tpu.memory_space<hbm>> -> memref<128x128xi32, #tpu.memory_space<hbm>>
    tpu.enqueue_dma source(%arg12 : memref<128x128xi32, #tpu.memory_space<vmem>>) target(%dma_start3A_88 : memref<128x128xi32, #tpu.memory_space<hbm>>) target_semaphore(%arg16 : memref<!tpu.dma_semaphore, #tpu.memory_space<semaphore_mem>>)
    %dma_wait3A_89 = arith.constant 0 : i32
    %dma_wait3A_90 = tpu.memref_slice %arg8[%mul3A_6, %dma_wait3A_89] : memref<16384x128xf32, #tpu.memory_space<hbm>> -> memref<128x128xf32, #tpu.memory_space<hbm>>
    %dma_wait3A_91 = arith.constant 0 : i32
    %dma_wait3A_92 = tpu.memref_slice %arg8[%mul3A_6, %dma_wait3A_91] : memref<16384x128xf32, #tpu.memory_space<hbm>> -> memref<128x128xf32, #tpu.memory_space<hbm>>
    tpu.wait_dma2 semaphore(%arg16 : memref<!tpu.dma_semaphore, #tpu.memory_space<semaphore_mem>>) src(%arg13 : memref<128x128xf32, #tpu.memory_space<vmem>>) dst(%dma_wait3A_92 : memref<128x128xf32, #tpu.memory_space<hbm>>)
    %dma_start3A_93 = arith.constant 5 : i32
    %dma_start3A_94 = arith.constant 0 : i32
    %dma_start3A_95 = tpu.memref_slice %arg10[%dma_start3A_93, %dma_start3A_94] : memref<12x128xi32, #tpu.memory_space<vmem>> -> memref<1x128xi32, #tpu.memory_space<vmem>>
    %dma_start3A_96 = tpu.memref_squeeze %dma_start3A_95 : memref<1x128xi32, #tpu.memory_space<vmem>> -> memref<128xi32, #tpu.memory_space<vmem>>
    %dma_start3A_97 = arith.constant 0 : i32
    %dma_start3A_98 = arith.constant 0 : i32
    %dma_start3A_99 = tpu.memref_slice %arg6[%dma_start3A_97, %dma_start3A_98] : memref<100000x128xf32, #tpu.memory_space<hbm>> -> memref<100000x128xf32, #tpu.memory_space<hbm>>
    tpu.enqueue_indirect_dma source(%dma_start3A_99 : memref<100000x128xf32, #tpu.memory_space<hbm>>) target(%arg13 : memref<128x128xf32, #tpu.memory_space<vmem>>) offsets(%dma_start3A_96 : memref<128xi32, #tpu.memory_space<vmem>>) semaphore(%arg15 : memref<!tpu.dma_semaphore, #tpu.memory_space<semaphore_mem>>)
    %dma_wait3A_100 = arith.constant 5 : i32
    %dma_wait3A_101 = arith.constant 0 : i32
    %dma_wait3A_102 = tpu.memref_slice %arg10[%dma_wait3A_100, %dma_wait3A_101] : memref<12x128xi32, #tpu.memory_space<vmem>> -> memref<1x128xi32, #tpu.memory_space<vmem>>
    %dma_wait3A_103 = tpu.memref_squeeze %dma_wait3A_102 : memref<1x128xi32, #tpu.memory_space<vmem>> -> memref<128xi32, #tpu.memory_space<vmem>>
    %dma_wait3A_104 = arith.constant 0 : i32
    %dma_wait3A_105 = arith.constant 0 : i32
    %dma_wait3A_106 = tpu.memref_slice %arg6[%dma_wait3A_104, %dma_wait3A_105] : memref<100000x128xf32, #tpu.memory_space<hbm>> -> memref<100000x128xf32, #tpu.memory_space<hbm>>
    tpu.wait_indirect_dma semaphore(%arg15 : memref<!tpu.dma_semaphore, #tpu.memory_space<semaphore_mem>>) src(%dma_wait3A_106 : memref<100000x128xf32, #tpu.memory_space<hbm>>) dst(%arg13 : memref<128x128xf32, #tpu.memory_space<vmem>>)
    %dma_start3A_107 = arith.constant 0 : i32
    %dma_start3A_108 = tpu.memref_slice %arg8[%mul3A_10, %dma_start3A_107] : memref<16384x128xf32, #tpu.memory_space<hbm>> -> memref<128x128xf32, #tpu.memory_space<hbm>>
    %dma_start3A_109 = arith.constant 0 : i32
    %dma_start3A_110 = tpu.memref_slice %arg8[%mul3A_10, %dma_start3A_109] : memref<16384x128xf32, #tpu.memory_space<hbm>> -> memref<128x128xf32, #tpu.memory_space<hbm>>
    tpu.enqueue_dma source(%arg13 : memref<128x128xf32, #tpu.memory_space<vmem>>) target(%dma_start3A_110 : memref<128x128xf32, #tpu.memory_space<hbm>>) target_semaphore(%arg16 : memref<!tpu.dma_semaphore, #tpu.memory_space<semaphore_mem>>)
    %dma_wait3A_111 = arith.constant 0 : i32
    %dma_wait3A_112 = tpu.memref_slice %arg9[%mul3A_6, %dma_wait3A_111] : memref<16384x128xf32, #tpu.memory_space<hbm>> -> memref<128x128xf32, #tpu.memory_space<hbm>>
    %dma_wait3A_113 = arith.constant 0 : i32
    %dma_wait3A_114 = tpu.memref_slice %arg9[%mul3A_6, %dma_wait3A_113] : memref<16384x128xf32, #tpu.memory_space<hbm>> -> memref<128x128xf32, #tpu.memory_space<hbm>>
    tpu.wait_dma2 semaphore(%arg16 : memref<!tpu.dma_semaphore, #tpu.memory_space<semaphore_mem>>) src(%arg14 : memref<128x128xf32, #tpu.memory_space<vmem>>) dst(%dma_wait3A_114 : memref<128x128xf32, #tpu.memory_space<hbm>>)
    %dma_start3A_115 = arith.constant 9 : i32
    %dma_start3A_116 = arith.constant 0 : i32
    %dma_start3A_117 = tpu.memref_slice %arg10[%dma_start3A_115, %dma_start3A_116] : memref<12x128xi32, #tpu.memory_space<vmem>> -> memref<1x128xi32, #tpu.memory_space<vmem>>
    %dma_start3A_118 = tpu.memref_squeeze %dma_start3A_117 : memref<1x128xi32, #tpu.memory_space<vmem>> -> memref<128xi32, #tpu.memory_space<vmem>>
    %dma_start3A_119 = arith.constant 0 : i32
    %dma_start3A_120 = arith.constant 0 : i32
    %dma_start3A_121 = tpu.memref_slice %arg6[%dma_start3A_119, %dma_start3A_120] : memref<100000x128xf32, #tpu.memory_space<hbm>> -> memref<100000x128xf32, #tpu.memory_space<hbm>>
    tpu.enqueue_indirect_dma source(%dma_start3A_121 : memref<100000x128xf32, #tpu.memory_space<hbm>>) target(%arg14 : memref<128x128xf32, #tpu.memory_space<vmem>>) offsets(%dma_start3A_118 : memref<128xi32, #tpu.memory_space<vmem>>) semaphore(%arg15 : memref<!tpu.dma_semaphore, #tpu.memory_space<semaphore_mem>>)
    %dma_wait3A_122 = arith.constant 9 : i32
    %dma_wait3A_123 = arith.constant 0 : i32
    %dma_wait3A_124 = tpu.memref_slice %arg10[%dma_wait3A_122, %dma_wait3A_123] : memref<12x128xi32, #tpu.memory_space<vmem>> -> memref<1x128xi32, #tpu.memory_space<vmem>>
    %dma_wait3A_125 = tpu.memref_squeeze %dma_wait3A_124 : memref<1x128xi32, #tpu.memory_space<vmem>> -> memref<128xi32, #tpu.memory_space<vmem>>
    %dma_wait3A_126 = arith.constant 0 : i32
    %dma_wait3A_127 = arith.constant 0 : i32
    %dma_wait3A_128 = tpu.memref_slice %arg6[%dma_wait3A_126, %dma_wait3A_127] : memref<100000x128xf32, #tpu.memory_space<hbm>> -> memref<100000x128xf32, #tpu.memory_space<hbm>>
    tpu.wait_indirect_dma semaphore(%arg15 : memref<!tpu.dma_semaphore, #tpu.memory_space<semaphore_mem>>) src(%dma_wait3A_128 : memref<100000x128xf32, #tpu.memory_space<hbm>>) dst(%arg14 : memref<128x128xf32, #tpu.memory_space<vmem>>)
    %dma_start3A_129 = arith.constant 0 : i32
    %dma_start3A_130 = tpu.memref_slice %arg9[%mul3A_10, %dma_start3A_129] : memref<16384x128xf32, #tpu.memory_space<hbm>> -> memref<128x128xf32, #tpu.memory_space<hbm>>
    %dma_start3A_131 = arith.constant 0 : i32
    %dma_start3A_132 = tpu.memref_slice %arg9[%mul3A_10, %dma_start3A_131] : memref<16384x128xf32, #tpu.memory_space<hbm>> -> memref<128x128xf32, #tpu.memory_space<hbm>>
    tpu.enqueue_dma source(%arg14 : memref<128x128xf32, #tpu.memory_space<vmem>>) target(%dma_start3A_132 : memref<128x128xf32, #tpu.memory_space<hbm>>) target_semaphore(%arg16 : memref<!tpu.dma_semaphore, #tpu.memory_space<semaphore_mem>>)
    %dma_wait3A_133 = arith.constant 0 : i32
    %dma_wait3A_134 = tpu.memref_slice %arg7[%mul3A_6, %dma_wait3A_133] : memref<16384x128xi32, #tpu.memory_space<hbm>> -> memref<128x128xi32, #tpu.memory_space<hbm>>
    %dma_wait3A_135 = arith.constant 0 : i32
    %dma_wait3A_136 = tpu.memref_slice %arg7[%mul3A_6, %dma_wait3A_135] : memref<16384x128xi32, #tpu.memory_space<hbm>> -> memref<128x128xi32, #tpu.memory_space<hbm>>
    tpu.wait_dma2 semaphore(%arg16 : memref<!tpu.dma_semaphore, #tpu.memory_space<semaphore_mem>>) src(%arg11 : memref<128x128xi32, #tpu.memory_space<vmem>>) dst(%dma_wait3A_136 : memref<128x128xi32, #tpu.memory_space<hbm>>)
    %dma_start3A_137 = arith.constant 2 : i32
    %dma_start3A_138 = arith.constant 0 : i32
    %dma_start3A_139 = tpu.memref_slice %arg10[%dma_start3A_137, %dma_start3A_138] : memref<12x128xi32, #tpu.memory_space<vmem>> -> memref<1x128xi32, #tpu.memory_space<vmem>>
    %dma_start3A_140 = tpu.memref_squeeze %dma_start3A_139 : memref<1x128xi32, #tpu.memory_space<vmem>> -> memref<128xi32, #tpu.memory_space<vmem>>
    %dma_start3A_141 = arith.constant 0 : i32
    %dma_start3A_142 = arith.constant 0 : i32
    %dma_start3A_143 = tpu.memref_slice %arg5[%dma_start3A_141, %dma_start3A_142] : memref<100000x128xi32, #tpu.memory_space<hbm>> -> memref<100000x128xi32, #tpu.memory_space<hbm>>
    tpu.enqueue_indirect_dma source(%dma_start3A_143 : memref<100000x128xi32, #tpu.memory_space<hbm>>) target(%arg11 : memref<128x128xi32, #tpu.memory_space<vmem>>) offsets(%dma_start3A_140 : memref<128xi32, #tpu.memory_space<vmem>>) semaphore(%arg15 : memref<!tpu.dma_semaphore, #tpu.memory_space<semaphore_mem>>)
    %dma_wait3A_144 = arith.constant 2 : i32
    %dma_wait3A_145 = arith.constant 0 : i32
    %dma_wait3A_146 = tpu.memref_slice %arg10[%dma_wait3A_144, %dma_wait3A_145] : memref<12x128xi32, #tpu.memory_space<vmem>> -> memref<1x128xi32, #tpu.memory_space<vmem>>
    %dma_wait3A_147 = tpu.memref_squeeze %dma_wait3A_146 : memref<1x128xi32, #tpu.memory_space<vmem>> -> memref<128xi32, #tpu.memory_space<vmem>>
    %dma_wait3A_148 = arith.constant 0 : i32
    %dma_wait3A_149 = arith.constant 0 : i32
    %dma_wait3A_150 = tpu.memref_slice %arg5[%dma_wait3A_148, %dma_wait3A_149] : memref<100000x128xi32, #tpu.memory_space<hbm>> -> memref<100000x128xi32, #tpu.memory_space<hbm>>
    tpu.wait_indirect_dma semaphore(%arg15 : memref<!tpu.dma_semaphore, #tpu.memory_space<semaphore_mem>>) src(%dma_wait3A_150 : memref<100000x128xi32, #tpu.memory_space<hbm>>) dst(%arg11 : memref<128x128xi32, #tpu.memory_space<vmem>>)
    %dma_start3A_151 = arith.constant 0 : i32
    %dma_start3A_152 = tpu.memref_slice %arg7[%mul3A_14, %dma_start3A_151] : memref<16384x128xi32, #tpu.memory_space<hbm>> -> memref<128x128xi32, #tpu.memory_space<hbm>>
    %dma_start3A_153 = arith.constant 0 : i32
    %dma_start3A_154 = tpu.memref_slice %arg7[%mul3A_14, %dma_start3A_153] : memref<16384x128xi32, #tpu.memory_space<hbm>> -> memref<128x128xi32, #tpu.memory_space<hbm>>
    tpu.enqueue_dma source(%arg11 : memref<128x128xi32, #tpu.memory_space<vmem>>) target(%dma_start3A_154 : memref<128x128xi32, #tpu.memory_space<hbm>>) target_semaphore(%arg16 : memref<!tpu.dma_semaphore, #tpu.memory_space<semaphore_mem>>)
    %dma_wait3A_155 = arith.constant 0 : i32
    %dma_wait3A_156 = tpu.memref_slice %arg8[%mul3A_10, %dma_wait3A_155] : memref<16384x128xf32, #tpu.memory_space<hbm>> -> memref<128x128xf32, #tpu.memory_space<hbm>>
    %dma_wait3A_157 = arith.constant 0 : i32
    %dma_wait3A_158 = tpu.memref_slice %arg8[%mul3A_10, %dma_wait3A_157] : memref<16384x128xf32, #tpu.memory_space<hbm>> -> memref<128x128xf32, #tpu.memory_space<hbm>>
    tpu.wait_dma2 semaphore(%arg16 : memref<!tpu.dma_semaphore, #tpu.memory_space<semaphore_mem>>) src(%arg13 : memref<128x128xf32, #tpu.memory_space<vmem>>) dst(%dma_wait3A_158 : memref<128x128xf32, #tpu.memory_space<hbm>>)
    %dma_start3A_159 = arith.constant 6 : i32
    %dma_start3A_160 = arith.constant 0 : i32
    %dma_start3A_161 = tpu.memref_slice %arg10[%dma_start3A_159, %dma_start3A_160] : memref<12x128xi32, #tpu.memory_space<vmem>> -> memref<1x128xi32, #tpu.memory_space<vmem>>
    %dma_start3A_162 = tpu.memref_squeeze %dma_start3A_161 : memref<1x128xi32, #tpu.memory_space<vmem>> -> memref<128xi32, #tpu.memory_space<vmem>>
    %dma_start3A_163 = arith.constant 0 : i32
    %dma_start3A_164 = arith.constant 0 : i32
    %dma_start3A_165 = tpu.memref_slice %arg6[%dma_start3A_163, %dma_start3A_164] : memref<100000x128xf32, #tpu.memory_space<hbm>> -> memref<100000x128xf32, #tpu.memory_space<hbm>>
    tpu.enqueue_indirect_dma source(%dma_start3A_165 : memref<100000x128xf32, #tpu.memory_space<hbm>>) target(%arg13 : memref<128x128xf32, #tpu.memory_space<vmem>>) offsets(%dma_start3A_162 : memref<128xi32, #tpu.memory_space<vmem>>) semaphore(%arg15 : memref<!tpu.dma_semaphore, #tpu.memory_space<semaphore_mem>>)
    %dma_wait3A_166 = arith.constant 6 : i32
    %dma_wait3A_167 = arith.constant 0 : i32
    %dma_wait3A_168 = tpu.memref_slice %arg10[%dma_wait3A_166, %dma_wait3A_167] : memref<12x128xi32, #tpu.memory_space<vmem>> -> memref<1x128xi32, #tpu.memory_space<vmem>>
    %dma_wait3A_169 = tpu.memref_squeeze %dma_wait3A_168 : memref<1x128xi32, #tpu.memory_space<vmem>> -> memref<128xi32, #tpu.memory_space<vmem>>
    %dma_wait3A_170 = arith.constant 0 : i32
    %dma_wait3A_171 = arith.constant 0 : i32
    %dma_wait3A_172 = tpu.memref_slice %arg6[%dma_wait3A_170, %dma_wait3A_171] : memref<100000x128xf32, #tpu.memory_space<hbm>> -> memref<100000x128xf32, #tpu.memory_space<hbm>>
    tpu.wait_indirect_dma semaphore(%arg15 : memref<!tpu.dma_semaphore, #tpu.memory_space<semaphore_mem>>) src(%dma_wait3A_172 : memref<100000x128xf32, #tpu.memory_space<hbm>>) dst(%arg13 : memref<128x128xf32, #tpu.memory_space<vmem>>)
    %dma_start3A_173 = arith.constant 0 : i32
    %dma_start3A_174 = tpu.memref_slice %arg8[%mul3A_14, %dma_start3A_173] : memref<16384x128xf32, #tpu.memory_space<hbm>> -> memref<128x128xf32, #tpu.memory_space<hbm>>
    %dma_start3A_175 = arith.constant 0 : i32
    %dma_start3A_176 = tpu.memref_slice %arg8[%mul3A_14, %dma_start3A_175] : memref<16384x128xf32, #tpu.memory_space<hbm>> -> memref<128x128xf32, #tpu.memory_space<hbm>>
    tpu.enqueue_dma source(%arg13 : memref<128x128xf32, #tpu.memory_space<vmem>>) target(%dma_start3A_176 : memref<128x128xf32, #tpu.memory_space<hbm>>) target_semaphore(%arg16 : memref<!tpu.dma_semaphore, #tpu.memory_space<semaphore_mem>>)
    %dma_wait3A_177 = arith.constant 0 : i32
    %dma_wait3A_178 = tpu.memref_slice %arg9[%mul3A_10, %dma_wait3A_177] : memref<16384x128xf32, #tpu.memory_space<hbm>> -> memref<128x128xf32, #tpu.memory_space<hbm>>
    %dma_wait3A_179 = arith.constant 0 : i32
    %dma_wait3A_180 = tpu.memref_slice %arg9[%mul3A_10, %dma_wait3A_179] : memref<16384x128xf32, #tpu.memory_space<hbm>> -> memref<128x128xf32, #tpu.memory_space<hbm>>
    tpu.wait_dma2 semaphore(%arg16 : memref<!tpu.dma_semaphore, #tpu.memory_space<semaphore_mem>>) src(%arg14 : memref<128x128xf32, #tpu.memory_space<vmem>>) dst(%dma_wait3A_180 : memref<128x128xf32, #tpu.memory_space<hbm>>)
    %dma_start3A_181 = arith.constant 10 : i32
    %dma_start3A_182 = arith.constant 0 : i32
    %dma_start3A_183 = tpu.memref_slice %arg10[%dma_start3A_181, %dma_start3A_182] : memref<12x128xi32, #tpu.memory_space<vmem>> -> memref<1x128xi32, #tpu.memory_space<vmem>>
    %dma_start3A_184 = tpu.memref_squeeze %dma_start3A_183 : memref<1x128xi32, #tpu.memory_space<vmem>> -> memref<128xi32, #tpu.memory_space<vmem>>
    %dma_start3A_185 = arith.constant 0 : i32
    %dma_start3A_186 = arith.constant 0 : i32
    %dma_start3A_187 = tpu.memref_slice %arg6[%dma_start3A_185, %dma_start3A_186] : memref<100000x128xf32, #tpu.memory_space<hbm>> -> memref<100000x128xf32, #tpu.memory_space<hbm>>
    tpu.enqueue_indirect_dma source(%dma_start3A_187 : memref<100000x128xf32, #tpu.memory_space<hbm>>) target(%arg14 : memref<128x128xf32, #tpu.memory_space<vmem>>) offsets(%dma_start3A_184 : memref<128xi32, #tpu.memory_space<vmem>>) semaphore(%arg15 : memref<!tpu.dma_semaphore, #tpu.memory_space<semaphore_mem>>)
    %dma_wait3A_188 = arith.constant 10 : i32
    %dma_wait3A_189 = arith.constant 0 : i32
    %dma_wait3A_190 = tpu.memref_slice %arg10[%dma_wait3A_188, %dma_wait3A_189] : memref<12x128xi32, #tpu.memory_space<vmem>> -> memref<1x128xi32, #tpu.memory_space<vmem>>
    %dma_wait3A_191 = tpu.memref_squeeze %dma_wait3A_190 : memref<1x128xi32, #tpu.memory_space<vmem>> -> memref<128xi32, #tpu.memory_space<vmem>>
    %dma_wait3A_192 = arith.constant 0 : i32
    %dma_wait3A_193 = arith.constant 0 : i32
    %dma_wait3A_194 = tpu.memref_slice %arg6[%dma_wait3A_192, %dma_wait3A_193] : memref<100000x128xf32, #tpu.memory_space<hbm>> -> memref<100000x128xf32, #tpu.memory_space<hbm>>
    tpu.wait_indirect_dma semaphore(%arg15 : memref<!tpu.dma_semaphore, #tpu.memory_space<semaphore_mem>>) src(%dma_wait3A_194 : memref<100000x128xf32, #tpu.memory_space<hbm>>) dst(%arg14 : memref<128x128xf32, #tpu.memory_space<vmem>>)
    %dma_start3A_195 = arith.constant 0 : i32
    %dma_start3A_196 = tpu.memref_slice %arg9[%mul3A_14, %dma_start3A_195] : memref<16384x128xf32, #tpu.memory_space<hbm>> -> memref<128x128xf32, #tpu.memory_space<hbm>>
    %dma_start3A_197 = arith.constant 0 : i32
    %dma_start3A_198 = tpu.memref_slice %arg9[%mul3A_14, %dma_start3A_197] : memref<16384x128xf32, #tpu.memory_space<hbm>> -> memref<128x128xf32, #tpu.memory_space<hbm>>
    tpu.enqueue_dma source(%arg14 : memref<128x128xf32, #tpu.memory_space<vmem>>) target(%dma_start3A_198 : memref<128x128xf32, #tpu.memory_space<hbm>>) target_semaphore(%arg16 : memref<!tpu.dma_semaphore, #tpu.memory_space<semaphore_mem>>)
    %dma_wait3A_199 = arith.constant 0 : i32
    %dma_wait3A_200 = tpu.memref_slice %arg7[%mul3A_10, %dma_wait3A_199] : memref<16384x128xi32, #tpu.memory_space<hbm>> -> memref<128x128xi32, #tpu.memory_space<hbm>>
    %dma_wait3A_201 = arith.constant 0 : i32
    %dma_wait3A_202 = tpu.memref_slice %arg7[%mul3A_10, %dma_wait3A_201] : memref<16384x128xi32, #tpu.memory_space<hbm>> -> memref<128x128xi32, #tpu.memory_space<hbm>>
    tpu.wait_dma2 semaphore(%arg16 : memref<!tpu.dma_semaphore, #tpu.memory_space<semaphore_mem>>) src(%arg12 : memref<128x128xi32, #tpu.memory_space<vmem>>) dst(%dma_wait3A_202 : memref<128x128xi32, #tpu.memory_space<hbm>>)
    %dma_start3A_203 = arith.constant 3 : i32
    %dma_start3A_204 = arith.constant 0 : i32
    %dma_start3A_205 = tpu.memref_slice %arg10[%dma_start3A_203, %dma_start3A_204] : memref<12x128xi32, #tpu.memory_space<vmem>> -> memref<1x128xi32, #tpu.memory_space<vmem>>
    %dma_start3A_206 = tpu.memref_squeeze %dma_start3A_205 : memref<1x128xi32, #tpu.memory_space<vmem>> -> memref<128xi32, #tpu.memory_space<vmem>>
    %dma_start3A_207 = arith.constant 0 : i32
    %dma_start3A_208 = arith.constant 0 : i32
    %dma_start3A_209 = tpu.memref_slice %arg5[%dma_start3A_207, %dma_start3A_208] : memref<100000x128xi32, #tpu.memory_space<hbm>> -> memref<100000x128xi32, #tpu.memory_space<hbm>>
    tpu.enqueue_indirect_dma source(%dma_start3A_209 : memref<100000x128xi32, #tpu.memory_space<hbm>>) target(%arg12 : memref<128x128xi32, #tpu.memory_space<vmem>>) offsets(%dma_start3A_206 : memref<128xi32, #tpu.memory_space<vmem>>) semaphore(%arg15 : memref<!tpu.dma_semaphore, #tpu.memory_space<semaphore_mem>>)
    %dma_wait3A_210 = arith.constant 3 : i32
    %dma_wait3A_211 = arith.constant 0 : i32
    %dma_wait3A_212 = tpu.memref_slice %arg10[%dma_wait3A_210, %dma_wait3A_211] : memref<12x128xi32, #tpu.memory_space<vmem>> -> memref<1x128xi32, #tpu.memory_space<vmem>>
    %dma_wait3A_213 = tpu.memref_squeeze %dma_wait3A_212 : memref<1x128xi32, #tpu.memory_space<vmem>> -> memref<128xi32, #tpu.memory_space<vmem>>
    %dma_wait3A_214 = arith.constant 0 : i32
    %dma_wait3A_215 = arith.constant 0 : i32
    %dma_wait3A_216 = tpu.memref_slice %arg5[%dma_wait3A_214, %dma_wait3A_215] : memref<100000x128xi32, #tpu.memory_space<hbm>> -> memref<100000x128xi32, #tpu.memory_space<hbm>>
    tpu.wait_indirect_dma semaphore(%arg15 : memref<!tpu.dma_semaphore, #tpu.memory_space<semaphore_mem>>) src(%dma_wait3A_216 : memref<100000x128xi32, #tpu.memory_space<hbm>>) dst(%arg12 : memref<128x128xi32, #tpu.memory_space<vmem>>)
    %dma_start3A_217 = arith.constant 0 : i32
    %dma_start3A_218 = tpu.memref_slice %arg7[%mul3A_18, %dma_start3A_217] : memref<16384x128xi32, #tpu.memory_space<hbm>> -> memref<128x128xi32, #tpu.memory_space<hbm>>
    %dma_start3A_219 = arith.constant 0 : i32
    %dma_start3A_220 = tpu.memref_slice %arg7[%mul3A_18, %dma_start3A_219] : memref<16384x128xi32, #tpu.memory_space<hbm>> -> memref<128x128xi32, #tpu.memory_space<hbm>>
    tpu.enqueue_dma source(%arg12 : memref<128x128xi32, #tpu.memory_space<vmem>>) target(%dma_start3A_220 : memref<128x128xi32, #tpu.memory_space<hbm>>) target_semaphore(%arg16 : memref<!tpu.dma_semaphore, #tpu.memory_space<semaphore_mem>>)
    %dma_wait3A_221 = arith.constant 0 : i32
    %dma_wait3A_222 = tpu.memref_slice %arg8[%mul3A_14, %dma_wait3A_221] : memref<16384x128xf32, #tpu.memory_space<hbm>> -> memref<128x128xf32, #tpu.memory_space<hbm>>
    %dma_wait3A_223 = arith.constant 0 : i32
    %dma_wait3A_224 = tpu.memref_slice %arg8[%mul3A_14, %dma_wait3A_223] : memref<16384x128xf32, #tpu.memory_space<hbm>> -> memref<128x128xf32, #tpu.memory_space<hbm>>
    tpu.wait_dma2 semaphore(%arg16 : memref<!tpu.dma_semaphore, #tpu.memory_space<semaphore_mem>>) src(%arg13 : memref<128x128xf32, #tpu.memory_space<vmem>>) dst(%dma_wait3A_224 : memref<128x128xf32, #tpu.memory_space<hbm>>)
    %dma_start3A_225 = arith.constant 7 : i32
    %dma_start3A_226 = arith.constant 0 : i32
    %dma_start3A_227 = tpu.memref_slice %arg10[%dma_start3A_225, %dma_start3A_226] : memref<12x128xi32, #tpu.memory_space<vmem>> -> memref<1x128xi32, #tpu.memory_space<vmem>>
    %dma_start3A_228 = tpu.memref_squeeze %dma_start3A_227 : memref<1x128xi32, #tpu.memory_space<vmem>> -> memref<128xi32, #tpu.memory_space<vmem>>
    %dma_start3A_229 = arith.constant 0 : i32
    %dma_start3A_230 = arith.constant 0 : i32
    %dma_start3A_231 = tpu.memref_slice %arg6[%dma_start3A_229, %dma_start3A_230] : memref<100000x128xf32, #tpu.memory_space<hbm>> -> memref<100000x128xf32, #tpu.memory_space<hbm>>
    tpu.enqueue_indirect_dma source(%dma_start3A_231 : memref<100000x128xf32, #tpu.memory_space<hbm>>) target(%arg13 : memref<128x128xf32, #tpu.memory_space<vmem>>) offsets(%dma_start3A_228 : memref<128xi32, #tpu.memory_space<vmem>>) semaphore(%arg15 : memref<!tpu.dma_semaphore, #tpu.memory_space<semaphore_mem>>)
    %dma_wait3A_232 = arith.constant 7 : i32
    %dma_wait3A_233 = arith.constant 0 : i32
    %dma_wait3A_234 = tpu.memref_slice %arg10[%dma_wait3A_232, %dma_wait3A_233] : memref<12x128xi32, #tpu.memory_space<vmem>> -> memref<1x128xi32, #tpu.memory_space<vmem>>
    %dma_wait3A_235 = tpu.memref_squeeze %dma_wait3A_234 : memref<1x128xi32, #tpu.memory_space<vmem>> -> memref<128xi32, #tpu.memory_space<vmem>>
    %dma_wait3A_236 = arith.constant 0 : i32
    %dma_wait3A_237 = arith.constant 0 : i32
    %dma_wait3A_238 = tpu.memref_slice %arg6[%dma_wait3A_236, %dma_wait3A_237] : memref<100000x128xf32, #tpu.memory_space<hbm>> -> memref<100000x128xf32, #tpu.memory_space<hbm>>
    tpu.wait_indirect_dma semaphore(%arg15 : memref<!tpu.dma_semaphore, #tpu.memory_space<semaphore_mem>>) src(%dma_wait3A_238 : memref<100000x128xf32, #tpu.memory_space<hbm>>) dst(%arg13 : memref<128x128xf32, #tpu.memory_space<vmem>>)
    %dma_start3A_239 = arith.constant 0 : i32
    %dma_start3A_240 = tpu.memref_slice %arg8[%mul3A_18, %dma_start3A_239] : memref<16384x128xf32, #tpu.memory_space<hbm>> -> memref<128x128xf32, #tpu.memory_space<hbm>>
    %dma_start3A_241 = arith.constant 0 : i32
    %dma_start3A_242 = tpu.memref_slice %arg8[%mul3A_18, %dma_start3A_241] : memref<16384x128xf32, #tpu.memory_space<hbm>> -> memref<128x128xf32, #tpu.memory_space<hbm>>
    tpu.enqueue_dma source(%arg13 : memref<128x128xf32, #tpu.memory_space<vmem>>) target(%dma_start3A_242 : memref<128x128xf32, #tpu.memory_space<hbm>>) target_semaphore(%arg16 : memref<!tpu.dma_semaphore, #tpu.memory_space<semaphore_mem>>)
    %dma_wait3A_243 = arith.constant 0 : i32
    %dma_wait3A_244 = tpu.memref_slice %arg9[%mul3A_14, %dma_wait3A_243] : memref<16384x128xf32, #tpu.memory_space<hbm>> -> memref<128x128xf32, #tpu.memory_space<hbm>>
    %dma_wait3A_245 = arith.constant 0 : i32
    %dma_wait3A_246 = tpu.memref_slice %arg9[%mul3A_14, %dma_wait3A_245] : memref<16384x128xf32, #tpu.memory_space<hbm>> -> memref<128x128xf32, #tpu.memory_space<hbm>>
    tpu.wait_dma2 semaphore(%arg16 : memref<!tpu.dma_semaphore, #tpu.memory_space<semaphore_mem>>) src(%arg14 : memref<128x128xf32, #tpu.memory_space<vmem>>) dst(%dma_wait3A_246 : memref<128x128xf32, #tpu.memory_space<hbm>>)
    %dma_start3A_247 = arith.constant 11 : i32
    %dma_start3A_248 = arith.constant 0 : i32
    %dma_start3A_249 = tpu.memref_slice %arg10[%dma_start3A_247, %dma_start3A_248] : memref<12x128xi32, #tpu.memory_space<vmem>> -> memref<1x128xi32, #tpu.memory_space<vmem>>
    %dma_start3A_250 = tpu.memref_squeeze %dma_start3A_249 : memref<1x128xi32, #tpu.memory_space<vmem>> -> memref<128xi32, #tpu.memory_space<vmem>>
    %dma_start3A_251 = arith.constant 0 : i32
    %dma_start3A_252 = arith.constant 0 : i32
    %dma_start3A_253 = tpu.memref_slice %arg6[%dma_start3A_251, %dma_start3A_252] : memref<100000x128xf32, #tpu.memory_space<hbm>> -> memref<100000x128xf32, #tpu.memory_space<hbm>>
    tpu.enqueue_indirect_dma source(%dma_start3A_253 : memref<100000x128xf32, #tpu.memory_space<hbm>>) target(%arg14 : memref<128x128xf32, #tpu.memory_space<vmem>>) offsets(%dma_start3A_250 : memref<128xi32, #tpu.memory_space<vmem>>) semaphore(%arg15 : memref<!tpu.dma_semaphore, #tpu.memory_space<semaphore_mem>>)
    %dma_wait3A_254 = arith.constant 11 : i32
    %dma_wait3A_255 = arith.constant 0 : i32
    %dma_wait3A_256 = tpu.memref_slice %arg10[%dma_wait3A_254, %dma_wait3A_255] : memref<12x128xi32, #tpu.memory_space<vmem>> -> memref<1x128xi32, #tpu.memory_space<vmem>>
    %dma_wait3A_257 = tpu.memref_squeeze %dma_wait3A_256 : memref<1x128xi32, #tpu.memory_space<vmem>> -> memref<128xi32, #tpu.memory_space<vmem>>
    %dma_wait3A_258 = arith.constant 0 : i32
    %dma_wait3A_259 = arith.constant 0 : i32
    %dma_wait3A_260 = tpu.memref_slice %arg6[%dma_wait3A_258, %dma_wait3A_259] : memref<100000x128xf32, #tpu.memory_space<hbm>> -> memref<100000x128xf32, #tpu.memory_space<hbm>>
    tpu.wait_indirect_dma semaphore(%arg15 : memref<!tpu.dma_semaphore, #tpu.memory_space<semaphore_mem>>) src(%dma_wait3A_260 : memref<100000x128xf32, #tpu.memory_space<hbm>>) dst(%arg14 : memref<128x128xf32, #tpu.memory_space<vmem>>)
    %dma_start3A_261 = arith.constant 0 : i32
    %dma_start3A_262 = tpu.memref_slice %arg9[%mul3A_18, %dma_start3A_261] : memref<16384x128xf32, #tpu.memory_space<hbm>> -> memref<128x128xf32, #tpu.memory_space<hbm>>
    %dma_start3A_263 = arith.constant 0 : i32
    %dma_start3A_264 = tpu.memref_slice %arg9[%mul3A_18, %dma_start3A_263] : memref<16384x128xf32, #tpu.memory_space<hbm>> -> memref<128x128xf32, #tpu.memory_space<hbm>>
    tpu.enqueue_dma source(%arg14 : memref<128x128xf32, #tpu.memory_space<vmem>>) target(%dma_start3A_264 : memref<128x128xf32, #tpu.memory_space<hbm>>) target_semaphore(%arg16 : memref<!tpu.dma_semaphore, #tpu.memory_space<semaphore_mem>>)
    %dma_wait3A_265 = arith.constant 0 : i32
    %dma_wait3A_266 = tpu.memref_slice %arg7[%mul3A_14, %dma_wait3A_265] : memref<16384x128xi32, #tpu.memory_space<hbm>> -> memref<128x128xi32, #tpu.memory_space<hbm>>
    %dma_wait3A_267 = arith.constant 0 : i32
    %dma_wait3A_268 = tpu.memref_slice %arg7[%mul3A_14, %dma_wait3A_267] : memref<16384x128xi32, #tpu.memory_space<hbm>> -> memref<128x128xi32, #tpu.memory_space<hbm>>
    tpu.wait_dma2 semaphore(%arg16 : memref<!tpu.dma_semaphore, #tpu.memory_space<semaphore_mem>>) src(%arg11 : memref<128x128xi32, #tpu.memory_space<vmem>>) dst(%dma_wait3A_268 : memref<128x128xi32, #tpu.memory_space<hbm>>)
    %dma_wait3A_269 = arith.constant 0 : i32
    %dma_wait3A_270 = tpu.memref_slice %arg7[%mul3A_18, %dma_wait3A_269] : memref<16384x128xi32, #tpu.memory_space<hbm>> -> memref<128x128xi32, #tpu.memory_space<hbm>>
    %dma_wait3A_271 = arith.constant 0 : i32
    %dma_wait3A_272 = tpu.memref_slice %arg7[%mul3A_18, %dma_wait3A_271] : memref<16384x128xi32, #tpu.memory_space<hbm>> -> memref<128x128xi32, #tpu.memory_space<hbm>>
    tpu.wait_dma2 semaphore(%arg16 : memref<!tpu.dma_semaphore, #tpu.memory_space<semaphore_mem>>) src(%arg12 : memref<128x128xi32, #tpu.memory_space<vmem>>) dst(%dma_wait3A_272 : memref<128x128xi32, #tpu.memory_space<hbm>>)
    %dma_wait3A_273 = arith.constant 0 : i32
    %dma_wait3A_274 = tpu.memref_slice %arg8[%mul3A_18, %dma_wait3A_273] : memref<16384x128xf32, #tpu.memory_space<hbm>> -> memref<128x128xf32, #tpu.memory_space<hbm>>
    %dma_wait3A_275 = arith.constant 0 : i32
    %dma_wait3A_276 = tpu.memref_slice %arg8[%mul3A_18, %dma_wait3A_275] : memref<16384x128xf32, #tpu.memory_space<hbm>> -> memref<128x128xf32, #tpu.memory_space<hbm>>
    tpu.wait_dma2 semaphore(%arg16 : memref<!tpu.dma_semaphore, #tpu.memory_space<semaphore_mem>>) src(%arg13 : memref<128x128xf32, #tpu.memory_space<vmem>>) dst(%dma_wait3A_276 : memref<128x128xf32, #tpu.memory_space<hbm>>)
    %dma_wait3A_277 = arith.constant 0 : i32
    %dma_wait3A_278 = tpu.memref_slice %arg9[%mul3A_18, %dma_wait3A_277] : memref<16384x128xf32, #tpu.memory_space<hbm>> -> memref<128x128xf32, #tpu.memory_space<hbm>>
    %dma_wait3A_279 = arith.constant 0 : i32
    %dma_wait3A_280 = tpu.memref_slice %arg9[%mul3A_18, %dma_wait3A_279] : memref<16384x128xf32, #tpu.memory_space<hbm>> -> memref<128x128xf32, #tpu.memory_space<hbm>>
    tpu.wait_dma2 semaphore(%arg16 : memref<!tpu.dma_semaphore, #tpu.memory_space<semaphore_mem>>) src(%arg14 : memref<128x128xf32, #tpu.memory_space<vmem>>) dst(%dma_wait3A_280 : memref<128x128xf32, #tpu.memory_space<hbm>>)
    return
  }
}

module attributes {stable_mosaic.version = 14 : i64} {
  func.func @_user_body(%arg0: i32, %arg1: memref<64x4096xf32, #tpu.memory_space<vmem>>, %arg2: memref<64x4096xf32, #tpu.memory_space<vmem>>, %arg3: memref<64x4096xf32, #tpu.memory_space<vmem>>, %arg4: memref<64x4096xf32, #tpu.memory_space<vmem>>, %arg5: memref<64x4096xf32, #tpu.memory_space<vmem>>, %arg6: memref<64x256xf32, #tpu.memory_space<vmem>>, %arg7: memref<1x64xf32, #tpu.memory_space<vmem>>, %arg8: memref<64x64xf32, #tpu.memory_space<vmem>>, %arg9: memref<1x64xf32, #tpu.memory_space<vmem>>, %arg10: memref<64x64xf32, #tpu.memory_space<vmem>>, %arg11: memref<1x64xf32, #tpu.memory_space<vmem>>, %arg12: memref<64x64xf32, #tpu.memory_space<vmem>>, %arg13: memref<1x64xf32, #tpu.memory_space<vmem>>, %arg14: memref<64x64xf32, #tpu.memory_space<vmem>>, %arg15: memref<1x64xf32, #tpu.memory_space<vmem>>, %arg16: memref<4096x128xi32, #tpu.memory_space<vmem>>, %arg17: memref<4096x128xf32, #tpu.memory_space<vmem>>) attributes {dimension_semantics = [#tpu.dimension_semantics<arbitrary>], iteration_bounds = array<i64: 25>, scalar_prefetch = 0 : i64, scratch_operands = 0 : i64, tpu.core_type = #tpu.core_type<tc>, window_params = [{transform_indices = @transform_0, window_bounds = array<i64: 64, 4096>}, {transform_indices = @transform_1, window_bounds = array<i64: 64, 4096>}, {transform_indices = @transform_2, window_bounds = array<i64: 64, 4096>}, {transform_indices = @transform_3, window_bounds = array<i64: 64, 4096>}, {transform_indices = @transform_4, window_bounds = array<i64: 64, 4096>}, {pipeline_mode = #tpu.pipeline_mode<synchronous>, transform_indices = @transform_5, window_bounds = array<i64: 64, 256>}, {pipeline_mode = #tpu.pipeline_mode<synchronous>, transform_indices = @transform_6, window_bounds = array<i64: 1, 64>}, {pipeline_mode = #tpu.pipeline_mode<synchronous>, transform_indices = @transform_7, window_bounds = array<i64: 64, 64>}, {pipeline_mode = #tpu.pipeline_mode<synchronous>, transform_indices = @transform_8, window_bounds = array<i64: 1, 64>}, {pipeline_mode = #tpu.pipeline_mode<synchronous>, transform_indices = @transform_9, window_bounds = array<i64: 64, 64>}, {pipeline_mode = #tpu.pipeline_mode<synchronous>, transform_indices = @transform_10, window_bounds = array<i64: 1, 64>}, {pipeline_mode = #tpu.pipeline_mode<synchronous>, transform_indices = @transform_11, window_bounds = array<i64: 64, 64>}, {pipeline_mode = #tpu.pipeline_mode<synchronous>, transform_indices = @transform_12, window_bounds = array<i64: 1, 64>}, {pipeline_mode = #tpu.pipeline_mode<synchronous>, transform_indices = @transform_13, window_bounds = array<i64: 64, 64>}, {pipeline_mode = #tpu.pipeline_mode<synchronous>, transform_indices = @transform_14, window_bounds = array<i64: 1, 64>}, {transform_indices = @transform_15, window_bounds = array<i64: 4096, 128>}, {transform_indices = @transform_16, window_bounds = array<i64: 4096, 128>}]} {
    %get3A = arith.constant 0 : index
    %get3A_0 = arith.constant 0 : index
    %get3A_1 = vector.load %arg1[%get3A, %get3A_0] : memref<64x4096xf32, #tpu.memory_space<vmem>>, vector<64x4096xf32>
    %get3A_2 = arith.constant 0 : index
    %get3A_3 = arith.constant 0 : index
    %get3A_4 = vector.load %arg2[%get3A_2, %get3A_3] : memref<64x4096xf32, #tpu.memory_space<vmem>>, vector<64x4096xf32>
    %get3A_5 = arith.constant 0 : index
    %get3A_6 = arith.constant 0 : index
    %get3A_7 = vector.load %arg3[%get3A_5, %get3A_6] : memref<64x4096xf32, #tpu.memory_space<vmem>>, vector<64x4096xf32>
    %get3A_8 = arith.constant 0 : index
    %get3A_9 = arith.constant 0 : index
    %get3A_10 = vector.load %arg4[%get3A_8, %get3A_9] : memref<64x4096xf32, #tpu.memory_space<vmem>>, vector<64x4096xf32>
    %concatenate3A = tpu.concatenate %get3A_1, %get3A_4, %get3A_7, %get3A_10 in 0 : vector<64x4096xf32>, vector<64x4096xf32>, vector<64x4096xf32>, vector<64x4096xf32> -> vector<256x4096xf32>
    %get3A_11 = arith.constant 0 : index
    %get3A_12 = arith.constant 0 : index
    %get3A_13 = vector.load %arg6[%get3A_11, %get3A_12] : memref<64x256xf32, #tpu.memory_space<vmem>>, vector<64x256xf32>
    %dot_general3A = arith.constant dense<0.000000e+00> : vector<4096x64xf32>
    %dot_general3A_14 = tpu.matmul %concatenate3A, %get3A_13, %dot_general3A {dimension_numbers = #tpu.dot_dimension_numbers<[0], [1], [1], [0], [0, 1, 1, 0], [], []>, transpose_lhs_hint = true} : vector<256x4096xf32>, vector<64x256xf32>, vector<4096x64xf32> -> vector<4096x64xf32>
    %get3A_15 = arith.constant 0 : index
    %get3A_16 = arith.constant 0 : index
    %get3A_17 = vector.load %arg7[%get3A_15, %get3A_16] : memref<1x64xf32, #tpu.memory_space<vmem>>, vector<1x64xf32>
    %add3A = vector.broadcast %get3A_17 : vector<1x64xf32> to vector<4096x64xf32>
    %add3A_18 = arith.addf %dot_general3A_14, %add3A : vector<4096x64xf32>
    %max3A = arith.constant 0.000000e+00 : f32
    %max3A_19 = vector.broadcast %max3A : f32 to vector<4096x64xf32>
    %max3A_20 = arith.maximumf %add3A_18, %max3A_19 : vector<4096x64xf32>
    %get3A_21 = arith.constant 0 : index
    %get3A_22 = arith.constant 0 : index
    %get3A_23 = vector.load %arg2[%get3A_21, %get3A_22] : memref<64x4096xf32, #tpu.memory_space<vmem>>, vector<64x4096xf32>
    %get3A_24 = arith.constant 0 : index
    %get3A_25 = arith.constant 0 : index
    %get3A_26 = vector.load %arg10[%get3A_24, %get3A_25] : memref<64x64xf32, #tpu.memory_space<vmem>>, vector<64x64xf32>
    %dot_general3A_27 = arith.constant dense<0.000000e+00> : vector<4096x64xf32>
    %dot_general3A_28 = tpu.matmul %get3A_23, %get3A_26, %dot_general3A_27 {dimension_numbers = #tpu.dot_dimension_numbers<[0], [0], [1], [1], [0, 1, 1, 1], [], []>, transpose_lhs_hint = true} : vector<64x4096xf32>, vector<64x64xf32>, vector<4096x64xf32> -> vector<4096x64xf32>
    %get3A_29 = arith.constant 0 : index
    %get3A_30 = arith.constant 0 : index
    %get3A_31 = vector.load %arg11[%get3A_29, %get3A_30] : memref<1x64xf32, #tpu.memory_space<vmem>>, vector<1x64xf32>
    %add3A_32 = vector.broadcast %get3A_31 : vector<1x64xf32> to vector<4096x64xf32>
    %add3A_33 = arith.addf %dot_general3A_28, %add3A_32 : vector<4096x64xf32>
    %max3A_34 = arith.constant 0.000000e+00 : f32
    %max3A_35 = vector.broadcast %max3A_34 : f32 to vector<4096x64xf32>
    %max3A_36 = arith.maximumf %add3A_33, %max3A_35 : vector<4096x64xf32>
    %get3A_37 = arith.constant 0 : index
    %get3A_38 = arith.constant 0 : index
    %get3A_39 = vector.load %arg3[%get3A_37, %get3A_38] : memref<64x4096xf32, #tpu.memory_space<vmem>>, vector<64x4096xf32>
    %get3A_40 = arith.constant 0 : index
    %get3A_41 = arith.constant 0 : index
    %get3A_42 = vector.load %arg12[%get3A_40, %get3A_41] : memref<64x64xf32, #tpu.memory_space<vmem>>, vector<64x64xf32>
    %dot_general3A_43 = arith.constant dense<0.000000e+00> : vector<4096x64xf32>
    %dot_general3A_44 = tpu.matmul %get3A_39, %get3A_42, %dot_general3A_43 {dimension_numbers = #tpu.dot_dimension_numbers<[0], [0], [1], [1], [0, 1, 1, 1], [], []>, transpose_lhs_hint = true} : vector<64x4096xf32>, vector<64x64xf32>, vector<4096x64xf32> -> vector<4096x64xf32>
    %get3A_45 = arith.constant 0 : index
    %get3A_46 = arith.constant 0 : index
    %get3A_47 = vector.load %arg13[%get3A_45, %get3A_46] : memref<1x64xf32, #tpu.memory_space<vmem>>, vector<1x64xf32>
    %add3A_48 = vector.broadcast %get3A_47 : vector<1x64xf32> to vector<4096x64xf32>
    %add3A_49 = arith.addf %dot_general3A_44, %add3A_48 : vector<4096x64xf32>
    %max3A_50 = arith.constant 0.000000e+00 : f32
    %max3A_51 = vector.broadcast %max3A_50 : f32 to vector<4096x64xf32>
    %max3A_52 = arith.maximumf %add3A_49, %max3A_51 : vector<4096x64xf32>
    %get3A_53 = arith.constant 0 : index
    %get3A_54 = arith.constant 0 : index
    %get3A_55 = vector.load %arg4[%get3A_53, %get3A_54] : memref<64x4096xf32, #tpu.memory_space<vmem>>, vector<64x4096xf32>
    %get3A_56 = arith.constant 0 : index
    %get3A_57 = arith.constant 0 : index
    %get3A_58 = vector.load %arg14[%get3A_56, %get3A_57] : memref<64x64xf32, #tpu.memory_space<vmem>>, vector<64x64xf32>
    %dot_general3A_59 = arith.constant dense<0.000000e+00> : vector<4096x64xf32>
    %dot_general3A_60 = tpu.matmul %get3A_55, %get3A_58, %dot_general3A_59 {dimension_numbers = #tpu.dot_dimension_numbers<[0], [0], [1], [1], [0, 1, 1, 1], [], []>, transpose_lhs_hint = true} : vector<64x4096xf32>, vector<64x64xf32>, vector<4096x64xf32> -> vector<4096x64xf32>
    %get3A_61 = arith.constant 0 : index
    %get3A_62 = arith.constant 0 : index
    %get3A_63 = vector.load %arg15[%get3A_61, %get3A_62] : memref<1x64xf32, #tpu.memory_space<vmem>>, vector<1x64xf32>
    %add3A_64 = vector.broadcast %get3A_63 : vector<1x64xf32> to vector<4096x64xf32>
    %add3A_65 = arith.addf %dot_general3A_60, %add3A_64 : vector<4096x64xf32>
    %max3A_66 = arith.constant 0.000000e+00 : f32
    %max3A_67 = vector.broadcast %max3A_66 : f32 to vector<4096x64xf32>
    %max3A_68 = arith.maximumf %add3A_65, %max3A_67 : vector<4096x64xf32>
    %convert_element_type3A = arith.truncf %max3A_20 : vector<4096x64xf32> to vector<4096x64xbf16>
    %bitcast_convert_type3A = tpu.bitcast %convert_element_type3A : vector<4096x64xbf16> -> vector<4096x64xi16>
    %convert_element_type3A_69 = arith.extui %bitcast_convert_type3A : vector<4096x64xi16> to vector<4096x64xi32>
    %convert_element_type3A_70 = arith.truncf %max3A_36 : vector<4096x64xf32> to vector<4096x64xbf16>
    %bitcast_convert_type3A_71 = tpu.bitcast %convert_element_type3A_70 : vector<4096x64xbf16> -> vector<4096x64xi16>
    %convert_element_type3A_72 = arith.extui %bitcast_convert_type3A_71 : vector<4096x64xi16> to vector<4096x64xi32>
    %shift_left3A = arith.constant 16 : i32
    %shift_left3A_73 = vector.broadcast %shift_left3A : i32 to vector<4096x64xi32>
    %shift_left3A_74 = arith.shli %convert_element_type3A_72, %shift_left3A_73 : vector<4096x64xi32>
    %or3A = arith.ori %convert_element_type3A_69, %shift_left3A_74 : vector<4096x64xi32>
    %swap3A = arith.constant 0 : index
    %swap3A_75 = arith.constant 0 : index
    %swap3A_76 = vector.load %arg16[%swap3A, %swap3A_75] : memref<4096x128xi32, #tpu.memory_space<vmem>>, vector<4096x64xi32>
    tpu.vector_store %arg16[%swap3A, %swap3A_75], %or3A {strides = array<i32>} : memref<4096x128xi32, #tpu.memory_space<vmem>>, vector<4096x64xi32>,
    %convert_element_type3A_77 = arith.truncf %max3A_52 : vector<4096x64xf32> to vector<4096x64xbf16>
    %bitcast_convert_type3A_78 = tpu.bitcast %convert_element_type3A_77 : vector<4096x64xbf16> -> vector<4096x64xi16>
    %convert_element_type3A_79 = arith.extui %bitcast_convert_type3A_78 : vector<4096x64xi16> to vector<4096x64xi32>
    %convert_element_type3A_80 = arith.truncf %max3A_68 : vector<4096x64xf32> to vector<4096x64xbf16>
    %bitcast_convert_type3A_81 = tpu.bitcast %convert_element_type3A_80 : vector<4096x64xbf16> -> vector<4096x64xi16>
    %convert_element_type3A_82 = arith.extui %bitcast_convert_type3A_81 : vector<4096x64xi16> to vector<4096x64xi32>
    %shift_left3A_83 = arith.constant 16 : i32
    %shift_left3A_84 = vector.broadcast %shift_left3A_83 : i32 to vector<4096x64xi32>
    %shift_left3A_85 = arith.shli %convert_element_type3A_82, %shift_left3A_84 : vector<4096x64xi32>
    %or3A_86 = arith.ori %convert_element_type3A_79, %shift_left3A_85 : vector<4096x64xi32>
    %swap3A_87 = arith.constant 0 : index
    %swap3A_88 = arith.constant 64 : index
    %swap3A_89 = vector.load %arg16[%swap3A_87, %swap3A_88] : memref<4096x128xi32, #tpu.memory_space<vmem>>, vector<4096x64xi32>
    tpu.vector_store %arg16[%swap3A_87, %swap3A_88], %or3A_86 {strides = array<i32>} : memref<4096x128xi32, #tpu.memory_space<vmem>>, vector<4096x64xi32>,
    %get3A_90 = arith.constant 0 : index
    %get3A_91 = arith.constant 0 : index
    %get3A_92 = vector.load %arg5[%get3A_90, %get3A_91] : memref<64x4096xf32, #tpu.memory_space<vmem>>, vector<64x4096xf32>
    %get3A_93 = arith.constant 0 : index
    %get3A_94 = arith.constant 0 : index
    %get3A_95 = vector.load %arg8[%get3A_93, %get3A_94] : memref<64x64xf32, #tpu.memory_space<vmem>>, vector<64x64xf32>
    %dot_general3A_96 = arith.constant dense<0.000000e+00> : vector<4096x64xf32>
    %dot_general3A_97 = tpu.matmul %get3A_92, %get3A_95, %dot_general3A_96 {dimension_numbers = #tpu.dot_dimension_numbers<[0], [0], [1], [1], [0, 1, 1, 1], [], []>, transpose_lhs_hint = true} : vector<64x4096xf32>, vector<64x64xf32>, vector<4096x64xf32> -> vector<4096x64xf32>
    %get3A_98 = arith.constant 0 : index
    %get3A_99 = arith.constant 0 : index
    %get3A_100 = vector.load %arg9[%get3A_98, %get3A_99] : memref<1x64xf32, #tpu.memory_space<vmem>>, vector<1x64xf32>
    %add3A_101 = vector.broadcast %get3A_100 : vector<1x64xf32> to vector<4096x64xf32>
    %add3A_102 = arith.addf %dot_general3A_97, %add3A_101 : vector<4096x64xf32>
    %max3A_103 = arith.constant 0.000000e+00 : f32
    %max3A_104 = vector.broadcast %max3A_103 : f32 to vector<4096x64xf32>
    %max3A_105 = arith.maximumf %add3A_102, %max3A_104 : vector<4096x64xf32>
    %swap3A_106 = arith.constant 0 : index
    %swap3A_107 = arith.constant 0 : index
    %swap3A_108 = vector.load %arg17[%swap3A_106, %swap3A_107] : memref<4096x128xf32, #tpu.memory_space<vmem>>, vector<4096x64xf32>
    tpu.vector_store %arg17[%swap3A_106, %swap3A_107], %max3A_105 {strides = array<i32>} : memref<4096x128xf32, #tpu.memory_space<vmem>>, vector<4096x64xf32>,
    %swap3A_109 = arith.constant 0 : index
    %swap3A_110 = arith.constant 64 : index
    %swap3A_111 = vector.load %arg17[%swap3A_109, %swap3A_110] : memref<4096x128xf32, #tpu.memory_space<vmem>>, vector<4096x64xf32>
    tpu.vector_store %arg17[%swap3A_109, %swap3A_110], %max3A_105 {strides = array<i32>} : memref<4096x128xf32, #tpu.memory_space<vmem>>, vector<4096x64xf32>,
    return
  }
  func.func @transform_0(%arg0: i32) -> (i32, i32) {
    %c0_i32 = arith.constant 0 : i32
    %c0_i32_0 = arith.constant 0 : i32
    return %c0_i32, %arg0 : i32, i32
  }
  func.func @transform_1(%arg0: i32) -> (i32, i32) {
    %c0_i32 = arith.constant 0 : i32
    %c0_i32_0 = arith.constant 0 : i32
    return %c0_i32, %arg0 : i32, i32
  }
  func.func @transform_2(%arg0: i32) -> (i32, i32) {
    %c0_i32 = arith.constant 0 : i32
    %c0_i32_0 = arith.constant 0 : i32
    return %c0_i32, %arg0 : i32, i32
  }
  func.func @transform_3(%arg0: i32) -> (i32, i32) {
    %c0_i32 = arith.constant 0 : i32
    %c0_i32_0 = arith.constant 0 : i32
    return %c0_i32, %arg0 : i32, i32
  }
  func.func @transform_4(%arg0: i32) -> (i32, i32) {
    %c0_i32 = arith.constant 0 : i32
    %c0_i32_0 = arith.constant 0 : i32
    return %c0_i32, %arg0 : i32, i32
  }
  func.func @transform_5(%arg0: i32) -> (i32, i32) {
    %c0_i32 = arith.constant 0 : i32
    %c0_i32_0 = arith.constant 0 : i32
    %c0_i32_1 = arith.constant 0 : i32
    return %c0_i32, %c0_i32_0 : i32, i32
  }
  func.func @transform_6(%arg0: i32) -> (i32, i32) {
    %c0_i32 = arith.constant 0 : i32
    %c0_i32_0 = arith.constant 0 : i32
    %c0_i32_1 = arith.constant 0 : i32
    return %c0_i32, %c0_i32_0 : i32, i32
  }
  func.func @transform_7(%arg0: i32) -> (i32, i32) {
    %c0_i32 = arith.constant 0 : i32
    %c0_i32_0 = arith.constant 0 : i32
    %c0_i32_1 = arith.constant 0 : i32
    return %c0_i32, %c0_i32_0 : i32, i32
  }
  func.func @transform_8(%arg0: i32) -> (i32, i32) {
    %c0_i32 = arith.constant 0 : i32
    %c0_i32_0 = arith.constant 0 : i32
    %c0_i32_1 = arith.constant 0 : i32
    return %c0_i32, %c0_i32_0 : i32, i32
  }
  func.func @transform_9(%arg0: i32) -> (i32, i32) {
    %c0_i32 = arith.constant 0 : i32
    %c0_i32_0 = arith.constant 0 : i32
    %c0_i32_1 = arith.constant 0 : i32
    return %c0_i32, %c0_i32_0 : i32, i32
  }
  func.func @transform_10(%arg0: i32) -> (i32, i32) {
    %c0_i32 = arith.constant 0 : i32
    %c0_i32_0 = arith.constant 0 : i32
    %c0_i32_1 = arith.constant 0 : i32
    return %c0_i32, %c0_i32_0 : i32, i32
  }
  func.func @transform_11(%arg0: i32) -> (i32, i32) {
    %c0_i32 = arith.constant 0 : i32
    %c0_i32_0 = arith.constant 0 : i32
    %c0_i32_1 = arith.constant 0 : i32
    return %c0_i32, %c0_i32_0 : i32, i32
  }
  func.func @transform_12(%arg0: i32) -> (i32, i32) {
    %c0_i32 = arith.constant 0 : i32
    %c0_i32_0 = arith.constant 0 : i32
    %c0_i32_1 = arith.constant 0 : i32
    return %c0_i32, %c0_i32_0 : i32, i32
  }
  func.func @transform_13(%arg0: i32) -> (i32, i32) {
    %c0_i32 = arith.constant 0 : i32
    %c0_i32_0 = arith.constant 0 : i32
    %c0_i32_1 = arith.constant 0 : i32
    return %c0_i32, %c0_i32_0 : i32, i32
  }
  func.func @transform_14(%arg0: i32) -> (i32, i32) {
    %c0_i32 = arith.constant 0 : i32
    %c0_i32_0 = arith.constant 0 : i32
    %c0_i32_1 = arith.constant 0 : i32
    return %c0_i32, %c0_i32_0 : i32, i32
  }
  func.func @transform_15(%arg0: i32) -> (i32, i32) {
    %c0_i32 = arith.constant 0 : i32
    %c0_i32_0 = arith.constant 0 : i32
    return %arg0, %c0_i32 : i32, i32
  }
  func.func @transform_16(%arg0: i32) -> (i32, i32) {
    %c0_i32 = arith.constant 0 : i32
    %c0_i32_0 = arith.constant 0 : i32
    return %arg0, %c0_i32 : i32, i32
  }
}

module attributes {stable_mosaic.version = 14 : i64} {
  func.func @_score_body(%arg0: i32, %arg1: memref<2048x128xi32, #tpu.memory_space<vmem>>, %arg2: memref<2048x128xf32, #tpu.memory_space<vmem>>, %arg3: memref<2048x128xf32, #tpu.memory_space<vmem>>, %arg4: memref<2048xf32, #tpu.memory_space<vmem>>, %arg5: memref<2048xf32, #tpu.memory_space<vmem>>, %arg6: memref<4x2048xf32, #tpu.memory_space<vmem>>, %arg7: memref<4x2048xf32, #tpu.memory_space<vmem>>) attributes {dimension_semantics = [#tpu.dimension_semantics<arbitrary>], iteration_bounds = array<i64: 8>, scalar_prefetch = 0 : i64, scratch_operands = 0 : i64, tpu.core_type = #tpu.core_type<tc>, window_params = [{transform_indices = @transform_0, window_bounds = array<i64: 2048, 128>}, {transform_indices = @transform_1, window_bounds = array<i64: 2048, 128>}, {transform_indices = @transform_2, window_bounds = array<i64: 2048, 128>}, {transform_indices = @transform_3, window_bounds = array<i64: 2048>}, {transform_indices = @transform_4, window_bounds = array<i64: 2048>}, {transform_indices = @transform_5, window_bounds = array<i64: 4, 2048>}, {transform_indices = @transform_6, window_bounds = array<i64: 4, 2048>}]} {
    %get3A = arith.constant 0 : index
    %get3A_0 = arith.constant 0 : index
    %get3A_1 = vector.load %arg1[%get3A, %get3A_0] : memref<2048x128xi32, #tpu.memory_space<vmem>>, vector<2048x128xi32>
    %slice3A = vector.extract_strided_slice %get3A_1 {offsets = [0, 0], sizes = [2048, 64], strides = [1, 1]} : vector<2048x128xi32> to vector<2048x64xi32>
    %shift_left3A = arith.constant 16 : i32
    %shift_left3A_2 = vector.broadcast %shift_left3A : i32 to vector<2048x64xi32>
    %shift_left3A_3 = arith.shli %slice3A, %shift_left3A_2 : vector<2048x64xi32>
    %bitcast_convert_type3A = tpu.bitcast %shift_left3A_3 : vector<2048x64xi32> -> vector<2048x64xf32>
    %slice3A_4 = vector.extract_strided_slice %get3A_1 {offsets = [0, 0], sizes = [2048, 64], strides = [1, 1]} : vector<2048x128xi32> to vector<2048x64xi32>
    %and3A = arith.constant -65536 : i32
    %and3A_5 = vector.broadcast %and3A : i32 to vector<2048x64xi32>
    %and3A_6 = arith.andi %slice3A_4, %and3A_5 : vector<2048x64xi32>
    %bitcast_convert_type3A_7 = tpu.bitcast %and3A_6 : vector<2048x64xi32> -> vector<2048x64xf32>
    %slice3A_8 = vector.extract_strided_slice %get3A_1 {offsets = [0, 64], sizes = [2048, 64], strides = [1, 1]} : vector<2048x128xi32> to vector<2048x64xi32>
    %shift_left3A_9 = arith.constant 16 : i32
    %shift_left3A_10 = vector.broadcast %shift_left3A_9 : i32 to vector<2048x64xi32>
    %shift_left3A_11 = arith.shli %slice3A_8, %shift_left3A_10 : vector<2048x64xi32>
    %bitcast_convert_type3A_12 = tpu.bitcast %shift_left3A_11 : vector<2048x64xi32> -> vector<2048x64xf32>
    %slice3A_13 = vector.extract_strided_slice %get3A_1 {offsets = [0, 64], sizes = [2048, 64], strides = [1, 1]} : vector<2048x128xi32> to vector<2048x64xi32>
    %and3A_14 = arith.constant -65536 : i32
    %and3A_15 = vector.broadcast %and3A_14 : i32 to vector<2048x64xi32>
    %and3A_16 = arith.andi %slice3A_13, %and3A_15 : vector<2048x64xi32>
    %bitcast_convert_type3A_17 = tpu.bitcast %and3A_16 : vector<2048x64xi32> -> vector<2048x64xf32>
    %concatenate3A = tpu.concatenate %bitcast_convert_type3A, %bitcast_convert_type3A_7, %bitcast_convert_type3A_12, %bitcast_convert_type3A_17 in 1 : vector<2048x64xf32>, vector<2048x64xf32>, vector<2048x64xf32>, vector<2048x64xf32> -> vector<2048x256xf32>
    %get3A_18 = arith.constant 0 : index
    %get3A_19 = arith.constant 0 : index
    %get3A_20 = vector.load %arg2[%get3A_18, %get3A_19] : memref<2048x128xf32, #tpu.memory_space<vmem>>, vector<2048x64xf32>
    %get3A_21 = arith.constant 0 : index
    %get3A_22 = arith.constant 0 : index
    %get3A_23 = vector.load %arg3[%get3A_21, %get3A_22] : memref<2048x128xf32, #tpu.memory_space<vmem>>, vector<2048x64xf32>
    %concatenate3A_24 = tpu.concatenate %get3A_20, %get3A_20, %get3A_20, %get3A_20 in 1 : vector<2048x64xf32>, vector<2048x64xf32>, vector<2048x64xf32>, vector<2048x64xf32> -> vector<2048x256xf32>
    %concatenate3A_25 = tpu.concatenate %get3A_23, %get3A_23, %get3A_23, %get3A_23 in 1 : vector<2048x64xf32>, vector<2048x64xf32>, vector<2048x64xf32>, vector<2048x64xf32> -> vector<2048x256xf32>
    %iota3A = tpu.iota {dimensions = array<i32: 0>} : vector<256x4xi32>
    %jit3A = arith.constant 64 : i32
    %div3A = vector.broadcast %jit3A : i32 to vector<256x4xi32>
    %div3A_26 = arith.divsi %iota3A, %div3A : vector<256x4xi32>
    %sign3A = arith.constant 0 : i32
    %sign3A_27 = vector.broadcast %sign3A : i32 to vector<256x4xi32>
    %sign3A_28 = arith.cmpi sgt, %iota3A, %sign3A_27 : vector<256x4xi32>
    %sign3A_29 = arith.extui %sign3A_28 : vector<256x4xi1> to vector<256x4xi32>
    %sign3A_30 = arith.constant 0 : i32
    %sign3A_31 = vector.broadcast %sign3A_30 : i32 to vector<256x4xi32>
    %sign3A_32 = arith.cmpi slt, %iota3A, %sign3A_31 : vector<256x4xi32>
    %sign3A_33 = arith.extui %sign3A_32 : vector<256x4xi1> to vector<256x4xi32>
    %sign3A_34 = arith.subi %sign3A_29, %sign3A_33 : vector<256x4xi32>
    %sign3A_35 = arith.constant 0 : i32
    %sign3A_36 = arith.cmpi sgt, %jit3A, %sign3A_35 : i32
    %sign3A_37 = arith.extui %sign3A_36 : i1 to i32
    %sign3A_38 = arith.constant 0 : i32
    %sign3A_39 = arith.cmpi slt, %jit3A, %sign3A_38 : i32
    %sign3A_40 = arith.extui %sign3A_39 : i1 to i32
    %sign3A_41 = arith.subi %sign3A_37, %sign3A_40 : i32
    %ne3A = vector.broadcast %sign3A_41 : i32 to vector<256x4xi32>
    %ne3A_42 = arith.cmpi ne, %sign3A_34, %ne3A : vector<256x4xi32>
    %rem3A = vector.broadcast %jit3A : i32 to vector<256x4xi32>
    %rem3A_43 = arith.remsi %iota3A, %rem3A : vector<256x4xi32>
    %ne3A_44 = arith.constant 0 : i32
    %ne3A_45 = vector.broadcast %ne3A_44 : i32 to vector<256x4xi32>
    %ne3A_46 = arith.cmpi ne, %rem3A_43, %ne3A_45 : vector<256x4xi32>
    %and3A_47 = arith.andi %ne3A_42, %ne3A_46 : vector<256x4xi1>
    %sub3A = arith.constant 1 : i32
    %sub3A_48 = vector.broadcast %sub3A : i32 to vector<256x4xi32>
    %sub3A_49 = arith.subi %div3A_26, %sub3A_48 : vector<256x4xi32>
    %select_n3A = arith.select %and3A_47, %sub3A_49, %div3A_26 : vector<256x4xi1>, vector<256x4xi32>
    %iota3A_50 = tpu.iota {dimensions = array<i32: 1>} : vector<256x4xi32>
    %le3A = arith.cmpi sle, %select_n3A, %iota3A_50 : vector<256x4xi32>
    %convert_element_type3A = arith.extui %le3A : vector<256x4xi1> to vector<256x4xi32>
    %convert_element_type3A_51 = arith.sitofp %convert_element_type3A : vector<256x4xi32> to vector<256x4xf32>
    %mul3A = arith.mulf %concatenate3A, %concatenate3A_24 : vector<2048x256xf32>
    %dot_general3A = arith.constant dense<0.000000e+00> : vector<4x2048xf32>
    %dot_general3A_52 = tpu.matmul %convert_element_type3A_51, %mul3A, %dot_general3A {dimension_numbers = #tpu.dot_dimension_numbers<[0], [1], [1], [0], [0, 1, 1, 0], [], []>, transpose_lhs_hint = false} : vector<256x4xf32>, vector<2048x256xf32>, vector<4x2048xf32> -> vector<4x2048xf32>
    %mul3A_53 = arith.mulf %concatenate3A, %concatenate3A_25 : vector<2048x256xf32>
    %dot_general3A_54 = arith.constant dense<0.000000e+00> : vector<4x2048xf32>
    %dot_general3A_55 = tpu.matmul %convert_element_type3A_51, %mul3A_53, %dot_general3A_54 {dimension_numbers = #tpu.dot_dimension_numbers<[0], [1], [1], [0], [0, 1, 1, 0], [], []>, transpose_lhs_hint = false} : vector<256x4xf32>, vector<2048x256xf32>, vector<4x2048xf32> -> vector<4x2048xf32>
    %slice3A_56 = vector.extract_strided_slice %dot_general3A_52 {offsets = [3, 0], sizes = [1, 2048], strides = [1, 1]} : vector<4x2048xf32> to vector<1x2048xf32>
    %squeeze3A = vector.shape_cast %slice3A_56 : vector<1x2048xf32> to vector<2048xf32>
    %swap3A = arith.constant 0 : index
    %swap3A_57 = vector.load %arg4[%swap3A] : memref<2048xf32, #tpu.memory_space<vmem>>, vector<2048xf32>
    tpu.vector_store %arg4[%swap3A], %squeeze3A {strides = array<i32>} : memref<2048xf32, #tpu.memory_space<vmem>>, vector<2048xf32>,
    %slice3A_58 = vector.extract_strided_slice %dot_general3A_55 {offsets = [3, 0], sizes = [1, 2048], strides = [1, 1]} : vector<4x2048xf32> to vector<1x2048xf32>
    %squeeze3A_59 = vector.shape_cast %slice3A_58 : vector<1x2048xf32> to vector<2048xf32>
    %swap3A_60 = arith.constant 0 : index
    %swap3A_61 = vector.load %arg5[%swap3A_60] : memref<2048xf32, #tpu.memory_space<vmem>>, vector<2048xf32>
    tpu.vector_store %arg5[%swap3A_60], %squeeze3A_59 {strides = array<i32>} : memref<2048xf32, #tpu.memory_space<vmem>>, vector<2048xf32>,
    %swap3A_62 = arith.constant 0 : index
    %swap3A_63 = arith.constant 0 : index
    %swap3A_64 = vector.load %arg6[%swap3A_62, %swap3A_63] : memref<4x2048xf32, #tpu.memory_space<vmem>>, vector<4x2048xf32>
    tpu.vector_store %arg6[%swap3A_62, %swap3A_63], %dot_general3A_52 {strides = array<i32>} : memref<4x2048xf32, #tpu.memory_space<vmem>>, vector<4x2048xf32>,
    %swap3A_65 = arith.constant 0 : index
    %swap3A_66 = arith.constant 0 : index
    %swap3A_67 = vector.load %arg7[%swap3A_65, %swap3A_66] : memref<4x2048xf32, #tpu.memory_space<vmem>>, vector<4x2048xf32>
    tpu.vector_store %arg7[%swap3A_65, %swap3A_66], %dot_general3A_55 {strides = array<i32>} : memref<4x2048xf32, #tpu.memory_space<vmem>>, vector<4x2048xf32>,
    return
  }
  func.func @transform_0(%arg0: i32) -> (i32, i32) {
    %c0_i32 = arith.constant 0 : i32
    %c0_i32_0 = arith.constant 0 : i32
    return %arg0, %c0_i32 : i32, i32
  }
  func.func @transform_1(%arg0: i32) -> (i32, i32) {
    %c0_i32 = arith.constant 0 : i32
    %c0_i32_0 = arith.constant 0 : i32
    return %arg0, %c0_i32 : i32, i32
  }
  func.func @transform_2(%arg0: i32) -> (i32, i32) {
    %c0_i32 = arith.constant 0 : i32
    %c0_i32_0 = arith.constant 0 : i32
    return %arg0, %c0_i32 : i32, i32
  }
  func.func @transform_3(%arg0: i32) -> i32 {
    %c0_i32 = arith.constant 0 : i32
    return %arg0 : i32
  }
  func.func @transform_4(%arg0: i32) -> i32 {
    %c0_i32 = arith.constant 0 : i32
    return %arg0 : i32
  }
  func.func @transform_5(%arg0: i32) -> (i32, i32) {
    %c0_i32 = arith.constant 0 : i32
    %c0_i32_0 = arith.constant 0 : i32
    return %c0_i32, %arg0 : i32, i32
  }
  func.func @transform_6(%arg0: i32) -> (i32, i32) {
    %c0_i32 = arith.constant 0 : i32
    %c0_i32_0 = arith.constant 0 : i32
    return %c0_i32, %arg0 : i32, i32
  }
}

</mosaic_0001>

<sc_bundles>
// kernel: kernel.5.cloned.1.call-start
scs
__scs_entry_jumppad:
0x0: {  	(pc) =	sbr.rel $0x88, $3  }
0x1: {  	(tag) =	ssettag $0x0;
	lr =	simm.s32 $0x1  }
0x2: {  	[smem:$0x3F8F] =	sst lr;
	_ =	strace $0xD0000000  }
0x3: {  	_ = 	snop  }
0x4: {  	_ = 	snop  }
0x5: {  	_ = 	snop  }
0x6: {  	_ = 	snop  }
0x7: {  	_ = 	snop  }
__scs_overlays_trampoline_lowered:
0x8: {  	[smem:$0x3F9E] =	sst s0  }
0x9: {  	[smem:$0x3F9F] =	sst s1  }
0xa: {  	[smem:$0x3FA0] =	sst s2  }
0xb: {  	[smem:$0x3FA1] =	sst s3  }
0xc: {  	[smem:$0x3FA2] =	sst s4  }
0xd: {  	[smem:$0x3FA3] =	sst s5  }
0xe: {  	[smem:$0x3FA4] =	sst s6  }
0xf: {  	[smem:$0x3FA5] =	sst s7  }
0x10: {  	[smem:$0x3FA6] =	sst s8  }
0x11: {  	[smem:$0x3FA7] =	sst s9;
	s0 =	simm.s32 @!p0 $0x0  }
0x12: {  	s1 =	sld [smem:$0x3F8D];
	s0 =	simm.s32 @p0 $0x1  }
0x13: {  	[smem:$0x3FA8] =	sst s0;
	s0 =	simm.s32 @!p1 $0x0  }
0x14: {  	s2 =	sld [smem:$0x3F8C];
	s0 =	simm.s32 @p1 $0x1  }
0x15: {  	[smem:$0x3FA9] =	sst s0;
	s0 =	simm.s32 @!p2 $0x0  }
0x16: {  	s3 =	sld [smem:$0x3FDB];
	s0 =	simm.s32 @p2 $0x1  }
0x17: {  	s4 =	simm.s32 $0x1BF5;
	[smem:$0x3FAB] =	sst s0  }
0x18: {  	s0 =	sld [smem:$0x3F8E];
	_ =	swait.ge [sflag:s4], $0x0  }
0x19: {  	s7 =	sld [smem:$0x3F8F]  }
0x1a: {  	s8 =	sadd.s32 $0xFFFFE003, lr  }
0x1b: {  	s9 =	sadd.s32 $0xFFFFFEF7, lr;
	s5 =	simm.s32 $0xFFFFFFFF;
	p2 =	slt.u32 s8, $0xFFFFF086  }
0x1c: {  	p1 =	slt.u32 s9, $0xF7A;
	s5 =	simm.s32 @!p2 $0x0  }
0x1d: {  	s5 =	simm.s32 @p1 $0x1;
	p0 =	seq.s32 s7, s2  }
0x1e: {  	s7 =	smul.u32 @!p0 $0xF7A, s2;
	p2 =	seq.s32 @!p0 s5, $0x0  }
0x1f: {  	s9 =	smul.u32 $0xF7A, s1;
	s8 =	simm.s32 @!p0 $0x1BF5;
	p2 =	por !p2, p0  }
0x20: {  	[sflag:s8] =	ssyncset.s32 @!p0 $0xFFFFF086;
	s6 =	sadd.s32 @!p0 s3, s7;
	s7 =	simm.s32 @!p0 $0x108  }
0x21: {  	s3 =	sadd.s32 s3, s9;
	s6 =	sadd.s32 @!p0 $0x88, s6;
	s7 =	simm.s32 @p2 $0x1082  }
0x22: {  	[simem:s7], [sflag:s8] =	dma.local @!p0 [hbm:s6], $0xF7A  }
0x23: {  	s9 =	sor.u32 $0xD0000000, s2;
	s6 =	simm.s32 $0x108;
	_ =	swait.ge @!p0 [sflag:s8], $0x0  }
0x24: {  	s3 =	sadd.s32 $0x88, s3;
	s6 =	simm.s32 @!p1 $0x1082;
	[sflag:s4] =	ssyncset.s32 $0xFFFFF086  }
0x25: {  	[simem:s6], [sflag:s4] =	dma.local [hbm:s3], $0xF7A  }
0x26: {  	[smem:$0x3F8F] =	sst s1;
	(tag) =	ssettag s2;
	_ =	strace s9  }
0x27: {  	s1 =	sld [smem:$0x3F9F]  }
0x28: {  	s2 =	sld [smem:$0x3FA0]  }
0x29: {  	s4 =	sld [smem:$0x3FA2]  }
0x2a: {  	p0 =	seq.s32 s5, $0x0;
	s5 =	sld [smem:$0x3FA3]  }
0x2b: {  	s6 =	sld [smem:$0x3FA4]  }
0x2c: {  	s7 =	sld [smem:$0x3FA5]  }
0x2d: {  	s3 =	simm.s32 $0x108;
	s8 =	sld [smem:$0x3FA6]  }
0x2e: {  	s3 =	simm.s32 @!p0 $0x1082;
	s9 =	sld [smem:$0x3FA7]  }
0x2f: {  	lr =	sadd.s32 s0, s3;
	s0 =	sld [smem:$0x3F9E]  }
0x30: {  	s3 =	sld [smem:$0x3FA1]  }
0x31: {  	[smem:$0x3FAA] =	sst s10  }
0x32: {  	s10 =	sld [smem:$0x3FA8];
	_ =	sdelay $0x3  }
0x33: {  	p0 =	seq.s32 s10, $0x1;
	s10 =	sld [smem:$0x3FAA];
	_ =	sdelay $0x3  }
0x34: {  	[smem:$0x3FAA] =	sst s10  }
0x35: {  	s10 =	sld [smem:$0x3FA9];
	_ =	sdelay $0x3  }
0x36: {  	p1 =	seq.s32 s10, $0x1;
	s10 =	sld [smem:$0x3FAA];
	_ =	sdelay $0x3  }
0x37: {  	[smem:$0x3FAA] =	sst s10  }
0x38: {  	s10 =	sld [smem:$0x3FAB]  }
0x39: {  	_ = 	snop;
	(pc) =	sbr.ind lr, $3  }
0x3a: {  	_ = 	snop  }
0x3b: {  	_ = 	snop  }
0x3c: {  	p2 =	seq.s32 s10, $0x1;
	s10 =	sld [smem:$0x3FAA]  }
0x3d: {  	_ =	shalt  }
0x3e: {  	_ =	shalt  }
0x3f: {  	_ =	shalt  }
0x40: {  	_ =	shalt  }
0x41: {  	_ =	shalt  }
0x42: {  	_ =	shalt  }
0x43: {  	_ =	shalt  }
0x44: {  	_ =	shalt  }
0x45: {  	_ =	shalt  }
0x46: {  	_ =	shalt  }
0x47: {  	_ =	shalt  }
0x48: {  	_ =	shalt  }
0x49: {  	_ =	shalt  }
0x4a: {  	_ =	shalt  }
0x4b: {  	_ =	shalt  }
0x4c: {  	_ =	shalt  }
0x4d: {  	_ =	shalt  }
0x4e: {  	_ =	shalt  }
0x4f: {  	_ =	shalt  }
0x50: {  	_ =	shalt  }
0x51: {  	_ =	shalt  }
0x52: {  	_ =	shalt  }
0x53: {  	_ =	shalt  }
0x54: {  	_ =	shalt  }
0x55: {  	_ =	shalt  }
0x56: {  	_ =	shalt  }
0x57: {  	_ =	shalt  }
0x58: {  	_ =	shalt  }
0x59: {  	_ =	shalt  }
0x5a: {  	_ =	shalt  }
0x5b: {  	_ =	shalt  }
0x5c: {  	_ =	shalt  }
0x5d: {  	_ =	shalt  }
0x5e: {  	_ =	shalt  }
0x5f: {  	_ =	shalt  }
0x60: {  	_ =	shalt  }
0x61: {  	_ =	shalt  }
0x62: {  	_ =	shalt  }
0x63: {  	_ =	shalt  }
0x64: {  	_ =	shalt  }
0x65: {  	_ =	shalt  }
0x66: {  	_ =	shalt  }
0x67: {  	_ =	shalt  }
0x68: {  	_ =	shalt  }
0x69: {  	_ =	shalt  }
0x6a: {  	_ =	shalt  }
0x6b: {  	_ =	shalt  }
0x6c: {  	_ =	shalt  }
0x6d: {  	_ =	shalt  }
0x6e: {  	_ =	shalt  }
0x6f: {  	_ =	shalt  }
0x70: {  	_ =	shalt  }
0x71: {  	_ =	shalt  }
0x72: {  	_ =	shalt  }
0x73: {  	_ =	shalt  }
0x74: {  	_ =	shalt  }
0x75: {  	_ =	shalt  }
0x76: {  	_ =	shalt  }
0x77: {  	_ =	shalt  }
0x78: {  	_ =	shalt  }
0x79: {  	_ =	shalt  }
0x7a: {  	_ =	shalt  }
0x7b: {  	_ =	shalt  }
0x7c: {  	_ =	shalt  }
0x7d: {  	_ =	shalt  }
0x7e: {  	_ =	shalt  }
0x7f: {  	_ =	shalt  }
0x80: {  	_ =	shalt  }
0x81: {  	_ =	shalt  }
0x82: {  	_ =	shalt  }
0x83: {  	_ =	shalt  }
0x84: {  	_ =	shalt  }
0x85: {  	_ =	shalt  }
0x86: {  	_ =	shalt  }
0x87: {  	_ =	shalt  }
.Lfunc_end0:
.L_simem_size_0:
called_computation_lowered:
.L_overlay_start_0:
0x88: {  	s2 =	sld [smem:$0x3FD9]  }
0x89: {  	s3 =	sld [smem:$0x3FFE];
	_ =	sdelay $0x1  }
0x8a: {  	s1 =	srdreg.scid  }
0x8b: {  	s0 =	sand.u32 $0x1, s1  }
0x8c: {  	s17 =	sshll.u32 s0, $0xA;
	s2 =	sadd.s32 s3, s2  }
0x8d: {  	s2 =	sadd.s32 s2, s17  }
0x8e: {  	[smem:$0x3FB6] =	sst s2  }
0x8f: {  	_ = 	snop  }
0x90: {  	s2 =	sld [smem:$0x3FC9]  }
0x91: {  	s18 =	sld [smem:$0x3FC8]  }
0x92: {  	s4 =	sld [smem:$0x3FC7];
	(tm) =	ssettm $0x1  }
0x93: {  	s5 =	sld [smem:$0x3FFB];
	_ =	sdelay $0x3  }
0x94: {  	_ =	strace s5  }
0x95: {  	s5 =	sld [smem:$0x3FFC];
	_ =	sdelay $0x3  }
0x96: {  	_ =	strace s5  }
0x97: {  	s5 =	sld [smem:$0x3FFD];
	_ =	sdelay $0x3  }
0x98: {  	_ =	strace s5  }
0x99: {  	_ =	strace $0x8FFFFFFF  }
0x9a: {  	s19 =	sld [smem:$0x3FDB];
	_ =	sdelay $0x1  }
0x9b: {  	s6 =	simm.s32 $_scs_section_size  }
0x9c: {  	s7 =	simm.s32 $_size__tile_overlayer_lowered;
	s8 =	simm.s32 $_tile_overlayer_lowered  }
0x9d: {  	s22 =	simm.s32 $0x1BFF;
	s21 =	sshll.u32 s8, $0x1;
	s5 =	sadd.s32 s6, s19  }
0x9e: {  	s9 =	simm.s32 $0x0;
	s20 =	sshll.u32 s7, $0x1;
	s7 =	sadd.s32 s21, s5  }
0x9f: {  	[timem:s9], [sflag:s22] =	dma.local [hbm:s7], s20  }
0xa0: {  	_ =	swait.ge [sflag:s22], s20  }
0xa1: {  	s6 =	ssub.s32 $0x0, s20;
	[sflag:s22] =	ssyncset.done $0x0  }
0xa2: {  	[sflag:s22] =	ssyncadd.s32 s6;
	_ =	sdelay $0x1  }
0xa3: {  	s23 =	simm.s32 $0x1B8B  }
0xa4: {  	_ =	swait.ge [sflag:s23], $0x1  }
0xa5: {  	[sflag:s23] =	ssyncset.done $0x0  }
0xa6: {  	s25 =	simm.s32 $0x1B8E;
	s24 =	sld [smem:$0x3FFE];
	[sflag:s23] =	ssyncadd.s32 $0xFFFFFFFF  }
0xa7: {  	s26 =	simm.s32 $execute0_lowered;
	[smem:$0x3FD2] =	sst s25  }
0xa8: {  	s7 =	sshll.u32 s26, $0x1;
	_ =	strace $0x80000046;
	[dreg:$0x1] =	wrdreg $0xFFFFFFFF  }
0xa9: {  	s28 =	simm.s32 $_size_execute0_lowered;
	s5 =	sadd.s32 s5, s7;
	[dreg:$0x0] =	wrdreg $0x0  }
0xaa: {  	s7 =	sshll.u32 s28, $0x1;
	[dreg:$0x2] =	wrdreg s5  }
0xab: {  	[dreg:$0x3] =	wrdreg s7  }
0xac: {  	[dreg:$0x4] =	wrdreg $0xC0  }
0xad: {  	_ =	task [dreg:s9], $0x5FFFF  }
0xae: {  	[dreg:$0x1] =	wrdreg $0xFFFFFFFF  }
0xaf: {  	[dreg:$0x0] =	wrdreg $0x60  }
0xb0: {  	[dreg:$0x2] =	wrdreg s2  }
0xb1: {  	[dreg:$0x3] =	wrdreg s18  }
0xb2: {  	[dreg:$0x4] =	wrdreg s4  }
0xb3: {  	[dreg:$0x5] =	wrdreg s24  }
0xb4: {  	[dreg:$0x6] =	wrdreg $0x9  }
0xb5: {  	_ =	task.clear_ibuf [dreg:s9], $0x7FFFF;
	_ =	strace $0x90000046  }
0xb6: {  	s29 =	simm.s32 $0x9;
	_ =	strace $0x80000048  }
0xb7: {  	_ =	swait.ge [sflag:s29], $0x1  }
0xb8: {  	[sflag:s29] =	ssyncadd.s32 $0xFFFFFFFF  }
0xb9: {  	_ =	strace $0x90000048  }
0xba: {  	_ =	sfence  }
0xbb: {  	s30 =	sld [smem:$0x0];
	_ =	sdelay $0x2  }
0xbc: {  	s31 =	sshll.u32 s1, $0xD;
	s1 =	sshrl.u32 s1, $0x2  }
0xbd: {  	s3 =	sand.u32 $0x4000, s31;
	s1 =	sadd.s32 s1, s30  }
0xbe: {  	s0 =	sor.u32 s3, s0;
	s1 =	sshll.u32 s1, $0x11  }
0xbf: {  	s0 =	sor.u32 s1, s0  }
0xc0: {  	s0 =	sadd.s32 $0x8F2B, s0  }
0xc1: {  	[sflag:s0] =	ssyncadd.remote.s32 $0x1  }
0xc2: {  	_ =	sfence.sel $0xFFFF  }
0xc3: {  	[dreg:$0x0] =	wrdreg $0xFFFFFFFF;
	(pc) =	sbr.abs _section_cstart, $3  }
0xc4: {  	[dreg:$0x1] =	wrdreg $0xFFFFFFFF  }
0xc5: {  	_ =	task.clear_ibuf [dreg:s9], $0x2FFFF;
	_ =	strace $0x9FFFFFFF  }
0xc6: {  	(tm) =	ssettm $0x7FFFFFFF  }
0xc7: {  	_ =	shalt  }
tec
execute0_lowered:
.L_overlay_start_1:
0x0: {  	(tag) =	ssettag $0x1  }
0x1: {  	s3 =	rddreg [dreg:$0x0]  }
0x2: {  	s4 =	rddreg [dreg:$0x1]  }
0x3: {  	s5 =	rddreg [dreg:$0x2];
	s0 =	srdreg.scid  }
0x4: {  	s10 =	rddreg [dreg:$0x3];
	s1 =	stileid.u32;
	s0 =	sand.u32 $0x1, s0  }
0x5: {  	s2 =	simm.s32 $0x0;
	s6 =	sshll.u32 s1, $0x7;
	s7 =	sshll.u32 s0, $0x6  }
0x6: {  	[smem:$0x7FF] =	sst s2;
	s26 =	sadd.s32 $0x30F600, s10;
	s6 =	sor.u32 s7, s6  }
0x7: {  	s16 =	sshll.u32 s1, $0xE;
	_ =	strace $0x80000047;
	s3 =	sadd.s32 s3, s6  }
0x8: {  	s17 =	sshll.u32 s0, $0xD;
	s15 =	sadd.s32 s4, s6;
	[dreg:$0x5] =	wrdreg s3  }
0x9: {  	s28 =	sor.u32 s17, s16;
	s18 =	sadd.s32 s5, s6;
	[dreg:$0x6] =	wrdreg s15  }
0xa: {  	s29 =	sadd.s32 $0x34F600, s10;
	s19 =	sadd.s32 s26, s28;
	[dreg:$0x7] =	wrdreg s18  }
0xb: {  	s31 =	sadd.s32 $0x38F600, s10;
	s20 =	sadd.s32 s29, s28;
	[dreg:$0x8] =	wrdreg s19  }
0xc: {  	s21 =	sadd.s32 s31, s28;
	[dreg:$0x9] =	wrdreg s20  }
0xd: {  	s18 =	sor.u32 $0x800, s28;
	[dreg:$0xa] =	wrdreg s21  }
0xe: {  	s22 =	rddreg [dreg:$0x5];
	s23 =	sadd.s32 s26, s18  }
0xf: {  	s3 =	simm.s32 $0x3;
	[dreg:$0xb] =	wrdreg s23  }
0x10: {  	[tilespmem:s2], [sflag:$0x3] =	stream.linear.gather [hbm4b:s22+s2], $0x200, $0x38;
	[tilespmem:$0x10800] =	vst v63  }
0x11: {  	_ =	swait.ge [sflag:s3], $0x200  }
0x12: {  	[sflag:s3] =	ssyncset.done $0x0  }
0x13: {  	s4 =	simm.s32 $0x200;
	s24 =	rddreg [dreg:$0x6];
	[sflag:s3] =	ssyncadd.s32 $0xFFFFFE00  }
0x14: {  	[tilespmem:s4], [sflag:$0x3] =	stream.linear.gather [hbm4b:s24+s2], $0x200, $0x38;
	[tilespmem:$0x10800] =	vst v63  }
0x15: {  	_ =	swait.ge [sflag:s3], $0x200  }
0x16: {  	[sflag:s3] =	ssyncset.done $0x0  }
0x17: {  	s5 =	simm.s32 $0x400;
	s25 =	rddreg [dreg:$0x7];
	[sflag:s3] =	ssyncadd.s32 $0xFFFFFE00  }
0x18: {  	[tilespmem:s5], [sflag:$0x3] =	stream.linear.gather [hbm4b:s25+s2], $0x200, $0x38;
	[tilespmem:$0x10800] =	vst v63  }
0x19: {  	_ =	swait.ge [sflag:s3], $0x200  }
0x1a: {  	s8 =	simm.s32 $0x800;
	s9 =	simm.s32 $0x1;
	[sflag:s3] =	ssyncset.done $0x0  }
0x1b: {  	s7 =	simm.s32 $0x80;
	s6 =	sadd.s32 $0x2200, s10;
	[sflag:s3] =	ssyncadd.s32 $0xFFFFFE00  }
0x1c: {  	[tilespmem:s8], [sflag:$0x1] =	stream.indirect.gather [hbm4b:s6+s7], $0x80, s2, s7, $0xb8;
	[tilespmem:$0x10800] =	vst v63  }
0x1d: {  	_ =	swait.ge [sflag:s9], $0x4000  }
0x1e: {  	[sflag:s9] =	ssyncset.done $0x0  }
0x1f: {  	s11 =	rddreg [dreg:$0x8];
	[sflag:s9] =	ssyncadd.s32 $0xFFFFC000  }
0x20: {  	[hbm4b:s11+s2] =	stream.linear.scatter [tilespmem:s8], [sflag:$0x2], $0x4000, $0x38;
	[tilespmem:$0x10800] =	vst v63  }
0x21: {  	s10 =	sadd.s32 $0x188C00, s10;
	s11 =	simm.s32 $0x8800  }
0x22: {  	[tilespmem:s11], [sflag:$0x1] =	stream.indirect.gather [hbm4b:s10+s7], $0x80, s4, s7, $0xb8;
	[tilespmem:$0x10800] =	vst v63  }
0x23: {  	_ =	swait.ge [sflag:s9], $0x4000  }
0x24: {  	[sflag:s9] =	ssyncset.done $0x0  }
0x25: {  	s12 =	rddreg [dreg:$0x9];
	[sflag:s9] =	ssyncadd.s32 $0xFFFFC000  }
0x26: {  	[hbm4b:s12+s2] =	stream.linear.scatter [tilespmem:s11], [sflag:$0x2], $0x4000, $0x38;
	[tilespmem:$0x10800] =	vst v63  }
0x27: {  	s12 =	simm.s32 $0xC800  }
0x28: {  	[tilespmem:s12], [sflag:$0x1] =	stream.indirect.gather [hbm4b:s10+s7], $0x80, s5, s7, $0xb8;
	[tilespmem:$0x10800] =	vst v63  }
0x29: {  	_ =	swait.ge [sflag:s9], $0x4000  }
0x2a: {  	[sflag:s9] =	ssyncset.done $0x0  }
0x2b: {  	s13 =	rddreg [dreg:$0xa];
	[sflag:s9] =	ssyncadd.s32 $0xFFFFC000  }
0x2c: {  	[hbm4b:s13+s2] =	stream.linear.scatter [tilespmem:s12], [sflag:$0x2], $0x4000, $0x38;
	[tilespmem:$0x10800] =	vst v63  }
0x2d: {  	s13 =	simm.s32 $0x4800  }
0x2e: {  	[tilespmem:s13], [sflag:$0x1] =	stream.indirect.gather [hbm4b:s6+s7], $0x80, s7, s7, $0xb8;
	[tilespmem:$0x10800] =	vst v63  }
0x2f: {  	_ =	swait.ge [sflag:s9], $0x4000  }
0x30: {  	[sflag:s9] =	ssyncset.done $0x0  }
0x31: {  	s14 =	simm.s32 $0x2;
	s15 =	rddreg [dreg:$0xb];
	[sflag:s9] =	ssyncadd.s32 $0xFFFFC000  }
0x32: {  	[hbm4b:s15+s2] =	stream.linear.scatter [tilespmem:s13], [sflag:$0x2], $0x4000, $0x38;
	[tilespmem:$0x10800] =	vst v63  }
0x33: {  	_ =	swait.ge [sflag:s14], $0x4000  }
0x34: {  	[sflag:s14] =	ssyncset.done $0x0  }
0x35: {  	s15 =	simm.s32 $0x280;
	[sflag:s14] =	ssyncadd.s32 $0xFFFFC000  }
0x36: {  	[tilespmem:s11], [sflag:$0x1] =	stream.indirect.gather [hbm4b:s10+s7], $0x80, s15, s7, $0xb8;
	[tilespmem:$0x10800] =	vst v63  }
0x37: {  	_ =	swait.ge [sflag:s9], $0x4000  }
0x38: {  	[sflag:s9] =	ssyncset.done $0x0  }
0x39: {  	s16 =	sadd.s32 s29, s18;
	[sflag:s9] =	ssyncadd.s32 $0xFFFFC000  }
0x3a: {  	[hbm4b:s16+s2] =	stream.linear.scatter [tilespmem:s11], [sflag:$0x2], $0x4000, $0x38;
	[tilespmem:$0x10800] =	vst v63  }
0x3b: {  	_ =	swait.ge [sflag:s14], $0x4000  }
0x3c: {  	[sflag:s14] =	ssyncset.done $0x0  }
0x3d: {  	s17 =	simm.s32 $0x480;
	[sflag:s14] =	ssyncadd.s32 $0xFFFFC000  }
0x3e: {  	[tilespmem:s12], [sflag:$0x1] =	stream.indirect.gather [hbm4b:s10+s7], $0x80, s17, s7, $0xb8;
	[tilespmem:$0x10800] =	vst v63  }
0x3f: {  	_ =	swait.ge [sflag:s9], $0x4000  }
0x40: {  	[sflag:s9] =	ssyncset.done $0x0  }
0x41: {  	s18 =	sadd.s32 s31, s18;
	[sflag:s9] =	ssyncadd.s32 $0xFFFFC000  }
0x42: {  	[hbm4b:s18+s2] =	stream.linear.scatter [tilespmem:s12], [sflag:$0x2], $0x4000, $0x38;
	[tilespmem:$0x10800] =	vst v63  }
0x43: {  	_ =	swait.ge [sflag:s14], $0x4000  }
0x44: {  	[sflag:s14] =	ssyncset.done $0x0  }
0x45: {  	s19 =	simm.s32 $0x100;
	[sflag:s14] =	ssyncadd.s32 $0xFFFFC000  }
0x46: {  	[tilespmem:s8], [sflag:$0x1] =	stream.indirect.gather [hbm4b:s6+s7], $0x80, s19, s7, $0xb8;
	[tilespmem:$0x10800] =	vst v63  }
0x47: {  	_ =	swait.ge [sflag:s9], $0x4000  }
0x48: {  	s24 =	sor.u32 $0x1000, s28;
	[sflag:s9] =	ssyncset.done $0x0  }
0x49: {  	s20 =	sadd.s32 s26, s24;
	[sflag:s9] =	ssyncadd.s32 $0xFFFFC000  }
0x4a: {  	[hbm4b:s20+s2] =	stream.linear.scatter [tilespmem:s8], [sflag:$0x2], $0x4000, $0x38;
	[tilespmem:$0x10800] =	vst v63  }
0x4b: {  	_ =	swait.ge [sflag:s14], $0x4000  }
0x4c: {  	[sflag:s14] =	ssyncset.done $0x0  }
0x4d: {  	s21 =	simm.s32 $0x300;
	[sflag:s14] =	ssyncadd.s32 $0xFFFFC000  }
0x4e: {  	[tilespmem:s11], [sflag:$0x1] =	stream.indirect.gather [hbm4b:s10+s7], $0x80, s21, s7, $0xb8;
	[tilespmem:$0x10800] =	vst v63  }
0x4f: {  	_ =	swait.ge [sflag:s9], $0x4000  }
0x50: {  	[sflag:s9] =	ssyncset.done $0x0  }
0x51: {  	s22 =	sadd.s32 s29, s24;
	[sflag:s9] =	ssyncadd.s32 $0xFFFFC000  }
0x52: {  	[hbm4b:s22+s2] =	stream.linear.scatter [tilespmem:s11], [sflag:$0x2], $0x4000, $0x38;
	[tilespmem:$0x10800] =	vst v63  }
0x53: {  	_ =	swait.ge [sflag:s14], $0x4000  }
0x54: {  	[sflag:s14] =	ssyncset.done $0x0  }
0x55: {  	s23 =	simm.s32 $0x500;
	[sflag:s14] =	ssyncadd.s32 $0xFFFFC000  }
0x56: {  	[tilespmem:s12], [sflag:$0x1] =	stream.indirect.gather [hbm4b:s10+s7], $0x80, s23, s7, $0xb8;
	[tilespmem:$0x10800] =	vst v63  }
0x57: {  	_ =	swait.ge [sflag:s9], $0x4000  }
0x58: {  	[sflag:s9] =	ssyncset.done $0x0  }
0x59: {  	s24 =	sadd.s32 s31, s24;
	[sflag:s9] =	ssyncadd.s32 $0xFFFFC000  }
0x5a: {  	[hbm4b:s24+s2] =	stream.linear.scatter [tilespmem:s12], [sflag:$0x2], $0x4000, $0x38;
	[tilespmem:$0x10800] =	vst v63  }
0x5b: {  	_ =	swait.ge [sflag:s14], $0x4000  }
0x5c: {  	[sflag:s14] =	ssyncset.done $0x0  }
0x5d: {  	s25 =	simm.s32 $0x180;
	[sflag:s14] =	ssyncadd.s32 $0xFFFFC000  }
0x5e: {  	[tilespmem:s13], [sflag:$0x1] =	stream.indirect.gather [hbm4b:s6+s7], $0x80, s25, s7, $0xb8;
	[tilespmem:$0x10800] =	vst v63  }
0x5f: {  	_ =	swait.ge [sflag:s9], $0x4000  }
0x60: {  	s1 =	sor.u32 $0x1800, s28;
	[sflag:s9] =	ssyncset.done $0x0  }
0x61: {  	s26 =	sadd.s32 s26, s1;
	[sflag:s9] =	ssyncadd.s32 $0xFFFFC000  }
0x62: {  	[hbm4b:s26+s2] =	stream.linear.scatter [tilespmem:s13], [sflag:$0x2], $0x4000, $0x38;
	[tilespmem:$0x10800] =	vst v63  }
0x63: {  	_ =	swait.ge [sflag:s14], $0x4000  }
0x64: {  	[sflag:s14] =	ssyncset.done $0x0  }
0x65: {  	s28 =	simm.s32 $0x380;
	[sflag:s14] =	ssyncadd.s32 $0xFFFFC000  }
0x66: {  	[tilespmem:s11], [sflag:$0x1] =	stream.indirect.gather [hbm4b:s10+s7], $0x80, s28, s7, $0xb8;
	[tilespmem:$0x10800] =	vst v63  }
0x67: {  	_ =	swait.ge [sflag:s9], $0x4000  }
0x68: {  	[sflag:s9] =	ssyncset.done $0x0  }
0x69: {  	s29 =	sadd.s32 s29, s1;
	[sflag:s9] =	ssyncadd.s32 $0xFFFFC000  }
0x6a: {  	[hbm4b:s29+s2] =	stream.linear.scatter [tilespmem:s11], [sflag:$0x2], $0x4000, $0x38;
	[tilespmem:$0x10800] =	vst v63  }
0x6b: {  	_ =	swait.ge [sflag:s14], $0x4000  }
0x6c: {  	[sflag:s14] =	ssyncset.done $0x0  }
0x6d: {  	s30 =	simm.s32 $0x580;
	[sflag:s14] =	ssyncadd.s32 $0xFFFFC000  }
0x6e: {  	[tilespmem:s12], [sflag:$0x1] =	stream.indirect.gather [hbm4b:s10+s7], $0x80, s30, s7, $0xb8;
	[tilespmem:$0x10800] =	vst v63  }
0x6f: {  	_ =	swait.ge [sflag:s9], $0x4000  }
0x70: {  	[sflag:s9] =	ssyncset.done $0x0  }
0x71: {  	s31 =	sadd.s32 s31, s1;
	[sflag:s9] =	ssyncadd.s32 $0xFFFFC000  }
0x72: {  	[hbm4b:s31+s2] =	stream.linear.scatter [tilespmem:s12], [sflag:$0x2], $0x4000, $0x38;
	[tilespmem:$0x10800] =	vst v63  }
0x73: {  	s0 =	ssub.s32 $0x2, s0;
	_ =	swait.ge [sflag:s14], $0x4000  }
0x74: {  	s1 =	sshrl.u32 s0, $0x1;
	[sflag:s14] =	ssyncset.done $0x0  }
0x75: {  	s0 =	ssub.s32 s0, s1;
	[sflag:s14] =	ssyncadd.s32 $0xFFFFC000  }
0x76: {  	s0 =	smax.u32 s0, $0x1;
	_ =	swait.ge [sflag:s14], $0x4000  }
0x77: {  	p0 =	sne.s32 s0, $0x1;
	[sflag:s14] =	ssyncset.done $0x0  }
.Ltmp0:
0x78: {  	[sflag:s14] =	ssyncadd.s32 $0xFFFFC000;
	(pc) =	sbr.rel @!p0 .LBB2_2-.Ltmp0, $4  }
0x79: {  	_ =	swait.ge [sflag:s14], $0x4000  }
0x7a: {  	[sflag:s14] =	ssyncset.done $0x0  }
0x7b: {  	[sflag:s14] =	ssyncadd.s32 $0xFFFFC000  }
0x7c: {  	s0 =	sadd.s32 $0xFFFFFFFF, s0;
	_ =	swait.ge [sflag:s14], $0x4000  }
.LBB2_1:
0x7d: {  	[sflag:s14] =	ssyncset.done $0x0  }
0x7e: {  	s1 =	rddreg [dreg:$0x5];
	[sflag:s14] =	ssyncadd.s32 $0xFFFFC000  }
0x7f: {  	[tilespmem:s2], [sflag:$0x3] =	stream.linear.gather [hbm4b:s1+s2], $0x200, $0x38;
	[tilespmem:$0x10800] =	vst v63  }
0x80: {  	_ =	swait.ge [sflag:s3], $0x200  }
0x81: {  	[sflag:s3] =	ssyncset.done $0x0  }
0x82: {  	s1 =	rddreg [dreg:$0x6];
	[sflag:s3] =	ssyncadd.s32 $0xFFFFFE00  }
0x83: {  	[tilespmem:s4], [sflag:$0x3] =	stream.linear.gather [hbm4b:s1+s2], $0x200, $0x38;
	[tilespmem:$0x10800] =	vst v63  }
0x84: {  	_ =	swait.ge [sflag:s3], $0x200  }
0x85: {  	[sflag:s3] =	ssyncset.done $0x0  }
0x86: {  	s1 =	rddreg [dreg:$0x7];
	[sflag:s3] =	ssyncadd.s32 $0xFFFFFE00  }
0x87: {  	[tilespmem:s5], [sflag:$0x3] =	stream.linear.gather [hbm4b:s1+s2], $0x200, $0x38;
	[tilespmem:$0x10800] =	vst v63  }
0x88: {  	_ =	swait.ge [sflag:s3], $0x200  }
0x89: {  	[sflag:s3] =	ssyncset.done $0x0  }
0x8a: {  	[sflag:s3] =	ssyncadd.s32 $0xFFFFFE00  }
0x8b: {  	[tilespmem:s8], [sflag:$0x1] =	stream.indirect.gather [hbm4b:s6+s7], $0x80, s2, s7, $0xb8;
	[tilespmem:$0x10800] =	vst v63  }
0x8c: {  	_ =	swait.ge [sflag:s9], $0x4000  }
0x8d: {  	[sflag:s9] =	ssyncset.done $0x0  }
0x8e: {  	s1 =	rddreg [dreg:$0x8];
	[sflag:s9] =	ssyncadd.s32 $0xFFFFC000  }
0x8f: {  	[hbm4b:s1+s2] =	stream.linear.scatter [tilespmem:s8], [sflag:$0x2], $0x4000, $0x38;
	[tilespmem:$0x10800] =	vst v63  }
0x90: {  	_ = 	snop  }
0x91: {  	[tilespmem:s11], [sflag:$0x1] =	stream.indirect.gather [hbm4b:s10+s7], $0x80, s4, s7, $0xb8;
	[tilespmem:$0x10800] =	vst v63  }
0x92: {  	_ =	swait.ge [sflag:s9], $0x4000  }
0x93: {  	[sflag:s9] =	ssyncset.done $0x0  }
0x94: {  	s1 =	rddreg [dreg:$0x9];
	[sflag:s9] =	ssyncadd.s32 $0xFFFFC000  }
0x95: {  	[hbm4b:s1+s2] =	stream.linear.scatter [tilespmem:s11], [sflag:$0x2], $0x4000, $0x38;
	[tilespmem:$0x10800] =	vst v63  }
0x96: {  	_ = 	snop  }
0x97: {  	[tilespmem:s12], [sflag:$0x1] =	stream.indirect.gather [hbm4b:s10+s7], $0x80, s5, s7, $0xb8;
	[tilespmem:$0x10800] =	vst v63  }
0x98: {  	_ =	swait.ge [sflag:s9], $0x4000  }
0x99: {  	[sflag:s9] =	ssyncset.done $0x0  }
0x9a: {  	s1 =	rddreg [dreg:$0xa];
	[sflag:s9] =	ssyncadd.s32 $0xFFFFC000  }
0x9b: {  	[hbm4b:s1+s2] =	stream.linear.scatter [tilespmem:s12], [sflag:$0x2], $0x4000, $0x38;
	[tilespmem:$0x10800] =	vst v63  }
0x9c: {  	_ = 	snop  }
0x9d: {  	[tilespmem:s13], [sflag:$0x1] =	stream.indirect.gather [hbm4b:s6+s7], $0x80, s7, s7, $0xb8;
	[tilespmem:$0x10800] =	vst v63  }
0x9e: {  	_ =	swait.ge [sflag:s9], $0x4000  }
0x9f: {  	[sflag:s9] =	ssyncset.done $0x0  }
0xa0: {  	s1 =	rddreg [dreg:$0xb];
	[sflag:s9] =	ssyncadd.s32 $0xFFFFC000  }
0xa1: {  	[hbm4b:s1+s2] =	stream.linear.scatter [tilespmem:s13], [sflag:$0x2], $0x4000, $0x38;
	[tilespmem:$0x10800] =	vst v63  }
0xa2: {  	_ =	swait.ge [sflag:s14], $0x4000  }
0xa3: {  	[sflag:s14] =	ssyncset.done $0x0  }
0xa4: {  	[sflag:s14] =	ssyncadd.s32 $0xFFFFC000  }
0xa5: {  	[tilespmem:s11], [sflag:$0x1] =	stream.indirect.gather [hbm4b:s10+s7], $0x80, s15, s7, $0xb8;
	[tilespmem:$0x10800] =	vst v63  }
0xa6: {  	_ =	swait.ge [sflag:s9], $0x4000  }
0xa7: {  	[sflag:s9] =	ssyncset.done $0x0  }
0xa8: {  	[sflag:s9] =	ssyncadd.s32 $0xFFFFC000  }
0xa9: {  	[hbm4b:s16+s2] =	stream.linear.scatter [tilespmem:s11], [sflag:$0x2], $0x4000, $0x38;
	[tilespmem:$0x10800] =	vst v63  }
0xaa: {  	_ =	swait.ge [sflag:s14], $0x4000  }
0xab: {  	[sflag:s14] =	ssyncset.done $0x0  }
0xac: {  	[sflag:s14] =	ssyncadd.s32 $0xFFFFC000  }
0xad: {  	[tilespmem:s12], [sflag:$0x1] =	stream.indirect.gather [hbm4b:s10+s7], $0x80, s17, s7, $0xb8;
	[tilespmem:$0x10800] =	vst v63  }
0xae: {  	_ =	swait.ge [sflag:s9], $0x4000  }
0xaf: {  	[sflag:s9] =	ssyncset.done $0x0  }
0xb0: {  	[sflag:s9] =	ssyncadd.s32 $0xFFFFC000  }
0xb1: {  	[hbm4b:s18+s2] =	stream.linear.scatter [tilespmem:s12], [sflag:$0x2], $0x4000, $0x38;
	[tilespmem:$0x10800] =	vst v63  }
0xb2: {  	_ =	swait.ge [sflag:s14], $0x4000  }
0xb3: {  	[sflag:s14] =	ssyncset.done $0x0  }
0xb4: {  	[sflag:s14] =	ssyncadd.s32 $0xFFFFC000  }
0xb5: {  	[tilespmem:s8], [sflag:$0x1] =	stream.indirect.gather [hbm4b:s6+s7], $0x80, s19, s7, $0xb8;
	[tilespmem:$0x10800] =	vst v63  }
0xb6: {  	_ =	swait.ge [sflag:s9], $0x4000  }
0xb7: {  	[sflag:s9] =	ssyncset.done $0x0  }
0xb8: {  	[sflag:s9] =	ssyncadd.s32 $0xFFFFC000  }
0xb9: {  	[hbm4b:s20+s2] =	stream.linear.scatter [tilespmem:s8], [sflag:$0x2], $0x4000, $0x38;
	[tilespmem:$0x10800] =	vst v63  }
0xba: {  	_ =	swait.ge [sflag:s14], $0x4000  }
0xbb: {  	[sflag:s14] =	ssyncset.done $0x0  }
0xbc: {  	[sflag:s14] =	ssyncadd.s32 $0xFFFFC000  }
0xbd: {  	[tilespmem:s11], [sflag:$0x1] =	stream.indirect.gather [hbm4b:s10+s7], $0x80, s21, s7, $0xb8;
	[tilespmem:$0x10800] =	vst v63  }
0xbe: {  	_ =	swait.ge [sflag:s9], $0x4000  }
0xbf: {  	[sflag:s9] =	ssyncset.done $0x0  }
0xc0: {  	[sflag:s9] =	ssyncadd.s32 $0xFFFFC000  }
0xc1: {  	[hbm4b:s22+s2] =	stream.linear.scatter [tilespmem:s11], [sflag:$0x2], $0x4000, $0x38;
	[tilespmem:$0x10800] =	vst v63  }
0xc2: {  	_ =	swait.ge [sflag:s14], $0x4000  }
0xc3: {  	[sflag:s14] =	ssyncset.done $0x0  }
0xc4: {  	[sflag:s14] =	ssyncadd.s32 $0xFFFFC000  }
0xc5: {  	[tilespmem:s12], [sflag:$0x1] =	stream.indirect.gather [hbm4b:s10+s7], $0x80, s23, s7, $0xb8;
	[tilespmem:$0x10800] =	vst v63  }
0xc6: {  	_ =	swait.ge [sflag:s9], $0x4000  }
0xc7: {  	[sflag:s9] =	ssyncset.done $0x0  }
0xc8: {  	[sflag:s9] =	ssyncadd.s32 $0xFFFFC000  }
0xc9: {  	[hbm4b:s24+s2] =	stream.linear.scatter [tilespmem:s12], [sflag:$0x2], $0x4000, $0x38;
	[tilespmem:$0x10800] =	vst v63  }
0xca: {  	_ =	swait.ge [sflag:s14], $0x4000  }
0xcb: {  	[sflag:s14] =	ssyncset.done $0x0  }
0xcc: {  	[sflag:s14] =	ssyncadd.s32 $0xFFFFC000  }
0xcd: {  	[tilespmem:s13], [sflag:$0x1] =	stream.indirect.gather [hbm4b:s6+s7], $0x80, s25, s7, $0xb8;
	[tilespmem:$0x10800] =	vst v63  }
0xce: {  	_ =	swait.ge [sflag:s9], $0x4000  }
0xcf: {  	[sflag:s9] =	ssyncset.done $0x0  }
0xd0: {  	[sflag:s9] =	ssyncadd.s32 $0xFFFFC000  }
0xd1: {  	[hbm4b:s26+s2] =	stream.linear.scatter [tilespmem:s13], [sflag:$0x2], $0x4000, $0x38;
	[tilespmem:$0x10800] =	vst v63  }
0xd2: {  	_ =	swait.ge [sflag:s14], $0x4000  }
0xd3: {  	[sflag:s14] =	ssyncset.done $0x0  }
0xd4: {  	[sflag:s14] =	ssyncadd.s32 $0xFFFFC000  }
0xd5: {  	[tilespmem:s11], [sflag:$0x1] =	stream.indirect.gather [hbm4b:s10+s7], $0x80, s28, s7, $0xb8;
	[tilespmem:$0x10800] =	vst v63  }
0xd6: {  	_ =	swait.ge [sflag:s9], $0x4000  }
0xd7: {  	[sflag:s9] =	ssyncset.done $0x0  }
0xd8: {  	[sflag:s9] =	ssyncadd.s32 $0xFFFFC000  }
0xd9: {  	[hbm4b:s29+s2] =	stream.linear.scatter [tilespmem:s11], [sflag:$0x2], $0x4000, $0x38;
	[tilespmem:$0x10800] =	vst v63  }
0xda: {  	_ =	swait.ge [sflag:s14], $0x4000  }
0xdb: {  	[sflag:s14] =	ssyncset.done $0x0  }
0xdc: {  	[sflag:s14] =	ssyncadd.s32 $0xFFFFC000  }
0xdd: {  	[tilespmem:s12], [sflag:$0x1] =	stream.indirect.gather [hbm4b:s10+s7], $0x80, s30, s7, $0xb8;
	[tilespmem:$0x10800] =	vst v63  }
0xde: {  	_ =	swait.ge [sflag:s9], $0x4000  }
0xdf: {  	[sflag:s9] =	ssyncset.done $0x0  }
0xe0: {  	[sflag:s9] =	ssyncadd.s32 $0xFFFFC000  }
0xe1: {  	[hbm4b:s31+s2] =	stream.linear.scatter [tilespmem:s12], [sflag:$0x2], $0x4000, $0x38;
	[tilespmem:$0x10800] =	vst v63  }
0xe2: {  	_ =	swait.ge [sflag:s14], $0x4000  }
0xe3: {  	[sflag:s14] =	ssyncset.done $0x0  }
0xe4: {  	[sflag:s14] =	ssyncadd.s32 $0xFFFFC000  }
0xe5: {  	_ =	swait.ge [sflag:s14], $0x4000  }
0xe6: {  	p0 =	sne.s32 s0, $0x1;
	[sflag:s14] =	ssyncset.done $0x0  }
.Ltmp1:
0xe7: {  	[sflag:s14] =	ssyncadd.s32 $0xFFFFC000;
	(pc) =	sbr.rel @p0 .LBB2_1-.Ltmp1, $4  }
0xe8: {  	_ =	swait.ge [sflag:s14], $0x4000  }
0xe9: {  	[sflag:s14] =	ssyncset.done $0x0  }
0xea: {  	[sflag:s14] =	ssyncadd.s32 $0xFFFFC000  }
0xeb: {  	s0 =	sadd.s32 $0xFFFFFFFF, s0;
	_ =	swait.ge [sflag:s14], $0x4000  }
.LBB2_2:
0xec: {  	[sflag:s14] =	ssyncset.done $0x0  }
0xed: {  	[sflag:s14] =	ssyncadd.s32 $0xFFFFC000  }
0xee: {  	_ =	sfence.sel $0x180000  }
0xef: {  	[bflag:$0x0] =	sbarrier.arrive $0xFFFF  }
0xf0: {  	_ =	strace $0x90000047  }
0xf1: {  	s0 =	stileid.u32;
	[bflag:$0x2] =	sbarrier.arrive $0xFFFF  }
0xf2: {  	p0 =	sne.s32 s0, $0x0;
	s0 =	rddreg [dreg:$0x4]  }
0xf3: {  	s0 =	sadd.s32 @!p0 $0x100000, s0  }
0xf4: {  	[sflag:s0] =	ssyncadd.tile.s32 @!p0 $0x1;
	_ =	shalt  }
.Lfunc_end2:
_tile_overlayer_lowered:
.L_overlay_start_2:
0xf5: {  	(tag) =	ssettag $0x2  }
0xf6: {  	s0 =	rddreg [dreg:$0x0];
	s2 =	stileid.u32  }
0xf7: {  	s1 =	rddreg [dreg:$0x1];
	p0 =	sne.s32 s2, $0x0  }
0xf8: {  	s3 =	rddreg [dreg:$0x2];
	[bflag:$0x3] =	sbarrier.arrive $0xFFFF;
	s2 =	simm.s32 @!p0 $0x1C03  }
0xf9: {  	[timem:s3], [sflag:s2] =	dma.local @!p0 [hbm:s0], s1  }
0xfa: {  	s0 =	simm.s32 @!p0 $0x3  }
0xfb: {  	_ =	swait.ge @!p0 [sflag:s0], s1  }
0xfc: {  	s1 =	ssub.s32 @!p0 $0x0, s1;
	[sflag:s0] =	ssyncset.done @!p0 $0x0  }
0xfd: {  	[sflag:s0] =	ssyncadd.s32 @!p0 s1  }
0xfe: {  	[bflag:$0x3] =	sbarrier.arrive $0xFFFF  }
0xff: {  	_ =	shalt  }

</sc_bundles>
